<compile_context>
chip_gen: v7x
topology: tpu7x:2x2x1
jax: 0.10.2.dev20260603
libtpu: 0.0.44.dev20260713+nightly
codegen_flags: <defaults>
</compile_context>

<pallas_src>
import jax
import jax.numpy as jnp
from jax import lax
from jax.experimental import pallas as pl
from jax.experimental.pallas import tpu as pltpu
from jax.experimental.pallas import tpu_sc as plsc

N_NODES = 10000
N_EDGES = 160000
IN_FEATS = 1433
HIDDEN = 16
OUT_FEATS = 7

NC = 2
NS = 16
NW = NC * NS
CH = 128
N_CHUNKS = 1280
E_PAD = N_CHUNKS * CH
CPW = N_CHUNKS // NW
NBUF = 4
N_ACC = 10240
ZERO_ROWS = N_ACC // NS
P_ROWS = N_NODES // NS

ROW_BLK = 1000

_SC_MESH = plsc.VectorSubcoreMesh(core_axis_name="c", subcore_axis_name="s")


K_BLK = 128
K_STEPS = -(-IN_FEATS // K_BLK)
K_TAIL = IN_FEATS - (K_STEPS - 1) * K_BLK


def _mm_body(x_ref, w_ref, o_ref):
    k = pl.program_id(1)
    lane = lax.broadcasted_iota(jnp.int32, (1, K_BLK), 1)
    valid = jnp.where(k == K_STEPS - 1, K_TAIL, K_BLK)
    x = jnp.where(lane < valid, x_ref[...], 0.0)
    partial = jnp.dot(x, w_ref[...], preferred_element_type=jnp.float32)

    @pl.when(k == 0)
    def _():
        o_ref[...] = partial

    @pl.when(k != 0)
    def _():
        o_ref[...] += partial


def _project1(features, W1p):
    return pl.pallas_call(
        _mm_body,
        grid=(N_NODES // ROW_BLK, K_STEPS),
        in_specs=[
            pl.BlockSpec((ROW_BLK, K_BLK), lambda i, k: (i, k)),
            pl.BlockSpec((K_BLK, 128), lambda i, k: (k, 0)),
        ],
        out_specs=pl.BlockSpec((ROW_BLK, 128), lambda i, k: (i, 0)),
        out_shape=jax.ShapeDtypeStruct((N_NODES, 128), jnp.float32),
    )(features, W1p)


def _final_body(p_ref, w2_ref, b2_ref, o_ref):
    o_ref[...] = jnp.dot(p_ref[0] + p_ref[1], w2_ref[...],
                         preferred_element_type=jnp.float32,
                         precision=lax.Precision.HIGHEST) + b2_ref[...]


PK_ROWS = N_ACC // 8
PK_BLK = 128


def _final(parts_pk, W2blk, b2t):
    return pl.pallas_call(
        _final_body,
        grid=(PK_ROWS // PK_BLK,),
        in_specs=[
            pl.BlockSpec((NC, PK_BLK, 128), lambda i: (0, i, 0)),
            pl.BlockSpec((128, 128), lambda i: (0, 0)),
            pl.BlockSpec((1, 128), lambda i: (0, 0)),
        ],
        out_specs=pl.BlockSpec((PK_BLK, 128), lambda i: (i, 0)),
        out_shape=jax.ShapeDtypeStruct((PK_ROWS, 128), jnp.float32),
    )(parts_pk, W2blk, b2t.reshape(1, 128))


def _edge_phase(s, wid, src_hbm, dst_hbm, out_hbm,
                src_v, dst_v, rows_v, out_v, acc_sh, tab_sh, gsem, ssem):
    pltpu.sync_copy(src_hbm.at[pl.ds(wid * CPW, CPW)], src_v)
    pltpu.sync_copy(dst_hbm.at[pl.ds(wid * CPW, CPW)], dst_v)
    plsc.subcore_barrier()

    pltpu.async_copy(tab_sh.at[src_v.at[0]], rows_v.at[0], gsem)

    def step(i, carry):
        j0 = 2 * i
        b0 = lax.rem(j0, NBUF)
        b1_ = lax.rem(j0 + 1, NBUF)
        b2_ = lax.rem(j0 + 2, NBUF)
        pltpu.async_copy(tab_sh.at[src_v.at[j0 + 1]], rows_v.at[b1_],
                         ssem)
        pltpu.make_async_copy(tab_sh.at[src_v.at[j0]], rows_v.at[b0],
                              gsem).wait()
        pltpu.sync_copy(rows_v.at[b0], acc_sh.at[dst_v.at[j0]], add=True)

        @pl.when(i < CPW // 2 - 1)
        def _():
            pltpu.async_copy(tab_sh.at[src_v.at[j0 + 2]],
                             rows_v.at[b2_], gsem)

        pltpu.make_async_copy(tab_sh.at[src_v.at[j0 + 1]],
                              rows_v.at[b1_], ssem).wait()
        pltpu.sync_copy(rows_v.at[b1_], acc_sh.at[dst_v.at[j0 + 1]],
                        add=True)
        return carry

    lax.fori_loop(0, CPW // 2, step, 0)
    plsc.subcore_barrier()

    pltpu.sync_copy(acc_sh.at[pl.ds(s * ZERO_ROWS, ZERO_ROWS)], out_v)
    c = wid % NC
    pltpu.sync_copy(out_v, out_hbm.at[c, pl.ds(s * ZERO_ROWS, ZERO_ROWS)])


def _seg_sum1_body(p_hbm, src_hbm, dst_hbm, zeros_hbm, out_hbm,
                   src_v, dst_v, rows_v, out_v, acc_sh, tab_sh, gsem, ssem):
    c = lax.axis_index("c")
    s = lax.axis_index("s")
    pltpu.sync_copy(zeros_hbm, out_v)
    pltpu.sync_copy(out_v, acc_sh.at[pl.ds(s * ZERO_ROWS, ZERO_ROWS)])
    pltpu.sync_copy(p_hbm.at[pl.ds(s * P_ROWS, P_ROWS), pl.ds(0, HIDDEN)],
                    tab_sh.at[pl.ds(s * P_ROWS, P_ROWS)])
    _edge_phase(s, s * NC + c, src_hbm, dst_hbm, out_hbm,
                src_v, dst_v, rows_v, out_v, acc_sh, tab_sh, gsem, ssem)


def _seg_sum2_body(parts_hbm, b1_hbm, src_hbm, dst_hbm, zeros_hbm, out_hbm,
                   src_v, dst_v, rows_v, out_v, a_v, b_v, b1_v,
                   acc_sh, tab_sh, gsem, ssem):
    c = lax.axis_index("c")
    s = lax.axis_index("s")
    pltpu.sync_copy(zeros_hbm, out_v)
    pltpu.sync_copy(out_v, acc_sh.at[pl.ds(s * ZERO_ROWS, ZERO_ROWS)])

    pltpu.sync_copy(parts_hbm.at[0, pl.ds(s * P_ROWS, P_ROWS)], a_v)
    pltpu.sync_copy(parts_hbm.at[1, pl.ds(s * P_ROWS, P_ROWS)], b_v)
    pltpu.sync_copy(b1_hbm, b1_v)
    b1vec = b1_v[...]

    def rowf(r, carry):
        out_v[r, :] = jnp.maximum(a_v[r, :] + b_v[r, :] + b1vec, 0.0)
        return carry

    lax.fori_loop(0, P_ROWS, rowf, 0)
    pltpu.sync_copy(out_v.at[pl.ds(0, P_ROWS)],
                    tab_sh.at[pl.ds(s * P_ROWS, P_ROWS)])
    _edge_phase(s, s * NC + c, src_hbm, dst_hbm, out_hbm,
                src_v, dst_v, rows_v, out_v, acc_sh, tab_sh, gsem, ssem)


_COMMON_SCRATCH = [
    pltpu.VMEM((CPW, CH), jnp.int32),
    pltpu.VMEM((CPW, CH), jnp.int32),
    pltpu.VMEM((NBUF, CH, HIDDEN), jnp.float32),
    pltpu.VMEM((ZERO_ROWS, HIDDEN), jnp.float32),
]
_SHARED_SCRATCH = [
    pltpu.VMEM_SHARED((N_ACC, HIDDEN), jnp.float32),
    pltpu.VMEM_SHARED((N_NODES, HIDDEN), jnp.float32),
    pltpu.SemaphoreType.DMA,
    pltpu.SemaphoreType.DMA,
]

_seg_sum1 = pl.kernel(
    _seg_sum1_body,
    out_type=jax.ShapeDtypeStruct((NC, N_ACC, HIDDEN), jnp.float32),
    mesh=_SC_MESH,
    scratch_types=_COMMON_SCRATCH + _SHARED_SCRATCH,
    compiler_params=pltpu.CompilerParams(use_tc_tiling_on_sc=False),
)

_seg_sum2 = pl.kernel(
    _seg_sum2_body,
    out_type=jax.ShapeDtypeStruct((NC, N_ACC, HIDDEN), jnp.float32),
    mesh=_SC_MESH,
    scratch_types=_COMMON_SCRATCH + [
        pltpu.VMEM((P_ROWS, HIDDEN), jnp.float32),
        pltpu.VMEM((P_ROWS, HIDDEN), jnp.float32),
        pltpu.VMEM((HIDDEN,), jnp.float32),
    ] + _SHARED_SCRATCH,
    compiler_params=pltpu.CompilerParams(use_tc_tiling_on_sc=False),
)


def kernel(features, edge_index, W1, b1, W2, b2):
    src = edge_index[0].astype(jnp.int32)
    dst = edge_index[1].astype(jnp.int32)
    pad = E_PAD - N_EDGES
    src2d = jnp.concatenate(
        [src, jnp.zeros((pad,), jnp.int32)]).reshape(N_CHUNKS, CH)
    dst2d = jnp.concatenate(
        [dst, jnp.full((pad,), N_NODES, jnp.int32)]).reshape(N_CHUNKS, CH)
    zeros = jnp.zeros((ZERO_ROWS, HIDDEN), jnp.float32)
    W2p = jnp.pad(W2, ((0, 0), (0, HIDDEN - OUT_FEATS)))
    b2p = jnp.pad(b2, (0, HIDDEN - OUT_FEATS))

    W2blk = jnp.kron(jnp.eye(8, dtype=jnp.float32), W2p)
    b2t = jnp.tile(b2p, 8)

    W1p = jnp.pad(W1, ((0, K_STEPS * K_BLK - IN_FEATS), (0, 128 - HIDDEN)))
    p1 = _project1(features, W1p)
    parts1 = _seg_sum1(p1, src2d, dst2d, zeros)
    parts2 = _seg_sum2(parts1, b1, src2d, dst2d, zeros)
    parts_pk = parts2.reshape(NC, PK_ROWS, 128)
    out_pk = _final(parts_pk, W2blk, b2t)
    return out_pk.reshape(N_ACC, HIDDEN)[:N_NODES, :OUT_FEATS]

# --- scband reference (transcript-rebuilt; emitter-appended) ---
"""Pipeline reference for scband-gnn-28449863368912 (READ-ONLY COPY).

The authoritative reference and input builder live on the scoring server;
editing this copy changes nothing except your own understanding.
"""

import jax, jax.numpy as jnp
import numpy as np

N_NODES = 10000
N_EDGES = 160000
IN_FEATS = 1433
HIDDEN = 16
OUT = 7


def setup_inputs(seed: int = 0) -> dict:
    key = jax.random.key(seed)
    k1, k2, k3, k4, k5, k6 = jax.random.split(key, 6)
    features = jax.random.normal(k1, (N_NODES, IN_FEATS), dtype=jnp.float32)
    edge_index = jax.random.randint(k2, (2, N_EDGES), 0, N_NODES, dtype=jnp.int64)
    # Linear layer params (Kaiming-uniform-ish init like torch nn.Linear)
    lim1 = 1.0 / np.sqrt(IN_FEATS)
    W1 = jax.random.uniform(k3, (IN_FEATS, HIDDEN), minval=-lim1, maxval=lim1, dtype=jnp.float32)
    b1 = jax.random.uniform(k4, (HIDDEN,), minval=-lim1, maxval=lim1, dtype=jnp.float32)
    lim2 = 1.0 / np.sqrt(HIDDEN)
    W2 = jax.random.uniform(k5, (HIDDEN, OUT), minval=-lim2, maxval=lim2, dtype=jnp.float32)
    b2 = jax.random.uniform(k6, (OUT,), minval=-lim2, maxval=lim2, dtype=jnp.float32)
    return {"features": features, "edge_index": edge_index, "W1": W1, "b1": b1, "W2": W2, "b2": b2}


def _gcn_conv(features, src, dst, W, b):
    # DGL: copy_src (gather source node features as messages) + fn.sum (scatter-add to dst)
    msgs = jnp.take(features, src, axis=0)                       # gather [E, d]
    h = jax.ops.segment_sum(msgs, dst, num_segments=N_NODES)     # scatter-add [N, d]
    return h @ W + b                                             # nn.Linear


def reference(features, edge_index, W1, b1, W2, b2):
    src = edge_index[0]
    dst = edge_index[1]
    x = _gcn_conv(features, src, dst, W1, b1)
    x = jax.nn.relu(x)
    x = _gcn_conv(x, src, dst, W2, b2)
    return x

if __name__ == "__main__":
    import jax
    _d = setup_inputs()
    print(jax.jit(kernel)(*tuple(_d.values())))

</pallas_src>

<mosaic_0001>
#map = affine_map<(d0, d1) -> (0, 0)>
#map1 = affine_map<(d0, d1) -> (0, 0, 0)>
module attributes {stable_mosaic.version = 14 : i64} {
  func.func @_seg_sum1_body(%arg0: i32, %arg1: i32, %arg2: memref<10000x128xf32, #tpu.memory_space<hbm>>, %arg3: memref<1280x128xi32, #tpu.memory_space<hbm>>, %arg4: memref<1280x128xi32, #tpu.memory_space<hbm>>, %arg5: memref<640x16xf32, #tpu.memory_space<hbm>>, %arg6: memref<2x10240x16xf32, #tpu.memory_space<hbm>>, %arg7: memref<40x128xi32, #tpu.memory_space<vmem>>, %arg8: memref<40x128xi32, #tpu.memory_space<vmem>>, %arg9: memref<4x128x16xf32, #tpu.memory_space<vmem>>, %arg10: memref<640x16xf32, #tpu.memory_space<vmem>>, %arg11: memref<10240x16xf32, #tpu.memory_space<vmem_shared>>, %arg12: memref<10000x16xf32, #tpu.memory_space<vmem_shared>>, %arg13: memref<!tpu.dma_semaphore, #tpu.memory_space<semaphore_mem>>, %arg14: memref<!tpu.dma_semaphore, #tpu.memory_space<semaphore_mem>>) attributes {dimension_semantics = [#tpu.dimension_semantics<core_parallel>, #tpu.dimension_semantics<subcore_parallel>], iteration_bounds = array<i64: 2, 16>, scalar_prefetch = 0 : i64, scratch_operands = 8 : i64, tpu.core_type = #tpu.core_type<sc_vector_subcore>, window_params = [{transform_indices = #map}, {transform_indices = #map}, {transform_indices = #map}, {transform_indices = #map}, {transform_indices = #map1}]} {
    "tpu.region"() ({
      %run_scoped3A = tpu.sem_alloc : memref<!tpu.dma_semaphore, #tpu.memory_space<semaphore_mem>>
      tpu.enqueue_dma source(%arg5 : memref<640x16xf32, #tpu.memory_space<hbm>>) target(%arg10 : memref<640x16xf32, #tpu.memory_space<vmem>>) target_semaphore(%run_scoped3A : memref<!tpu.dma_semaphore, #tpu.memory_space<semaphore_mem>>)
      tpu.wait_dma2 semaphore(%run_scoped3A : memref<!tpu.dma_semaphore, #tpu.memory_space<semaphore_mem>>) src(%arg5 : memref<640x16xf32, #tpu.memory_space<hbm>>) dst(%arg10 : memref<640x16xf32, #tpu.memory_space<vmem>>)
      tpu.yield
    }) : () -> ()
    %mul3A = arith.constant 640 : i32
    %mul3A_0 = arith.muli %arg1, %mul3A : i32
    "tpu.region"() ({
      %run_scoped3A = tpu.sem_alloc : memref<!tpu.dma_semaphore, #tpu.memory_space<semaphore_mem>>
      %dma_start3A_41 = arith.constant 0 : i32
      %dma_start3A_42 = tpu.memref_slice %arg11[%mul3A_0, %dma_start3A_41] : memref<10240x16xf32, #tpu.memory_space<vmem_shared>> -> memref<640x16xf32, #tpu.memory_space<vmem_shared>>
      %dma_start3A_43 = arith.constant 0 : i32
      %dma_start3A_44 = tpu.memref_slice %arg11[%mul3A_0, %dma_start3A_43] : memref<10240x16xf32, #tpu.memory_space<vmem_shared>> -> memref<640x16xf32, #tpu.memory_space<vmem_shared>>
      tpu.enqueue_dma source(%arg10 : memref<640x16xf32, #tpu.memory_space<vmem>>) target(%dma_start3A_44 : memref<640x16xf32, #tpu.memory_space<vmem_shared>>) target_semaphore(%run_scoped3A : memref<!tpu.dma_semaphore, #tpu.memory_space<semaphore_mem>>)
      %dma_wait3A = arith.constant 0 : i32
      %dma_wait3A_45 = tpu.memref_slice %arg11[%mul3A_0, %dma_wait3A] : memref<10240x16xf32, #tpu.memory_space<vmem_shared>> -> memref<640x16xf32, #tpu.memory_space<vmem_shared>>
      %dma_wait3A_46 = arith.constant 0 : i32
      %dma_wait3A_47 = tpu.memref_slice %arg11[%mul3A_0, %dma_wait3A_46] : memref<10240x16xf32, #tpu.memory_space<vmem_shared>> -> memref<640x16xf32, #tpu.memory_space<vmem_shared>>
      tpu.wait_dma2 semaphore(%run_scoped3A : memref<!tpu.dma_semaphore, #tpu.memory_space<semaphore_mem>>) src(%arg10 : memref<640x16xf32, #tpu.memory_space<vmem>>) dst(%dma_wait3A_47 : memref<640x16xf32, #tpu.memory_space<vmem_shared>>)
      tpu.yield
    }) : () -> ()
    %mul3A_1 = arith.constant 625 : i32
    %mul3A_2 = arith.muli %arg1, %mul3A_1 : i32
    %mul3A_3 = arith.constant 625 : i32
    %mul3A_4 = arith.muli %arg1, %mul3A_3 : i32
    "tpu.region"() ({
      %run_scoped3A = tpu.sem_alloc : memref<!tpu.dma_semaphore, #tpu.memory_space<semaphore_mem>>
      %dma_start3A_41 = arith.constant 0 : i32
      %dma_start3A_42 = tpu.memref_slice %arg12[%mul3A_4, %dma_start3A_41] : memref<10000x16xf32, #tpu.memory_space<vmem_shared>> -> memref<625x16xf32, #tpu.memory_space<vmem_shared>>
      %dma_start3A_43 = arith.constant 0 : i32
      %dma_start3A_44 = tpu.memref_slice %arg2[%mul3A_2, %dma_start3A_43] : memref<10000x128xf32, #tpu.memory_space<hbm>> -> memref<625x16xf32, #tpu.memory_space<hbm>>
      tpu.enqueue_dma source(%dma_start3A_44 : memref<625x16xf32, #tpu.memory_space<hbm>>) target(%dma_start3A_42 : memref<625x16xf32, #tpu.memory_space<vmem_shared>>) target_semaphore(%run_scoped3A : memref<!tpu.dma_semaphore, #tpu.memory_space<semaphore_mem>>)
      %dma_wait3A = arith.constant 0 : i32
      %dma_wait3A_45 = tpu.memref_slice %arg12[%mul3A_4, %dma_wait3A] : memref<10000x16xf32, #tpu.memory_space<vmem_shared>> -> memref<625x16xf32, #tpu.memory_space<vmem_shared>>
      %dma_wait3A_46 = arith.constant 0 : i32
      %dma_wait3A_47 = tpu.memref_slice %arg2[%mul3A_2, %dma_wait3A_46] : memref<10000x128xf32, #tpu.memory_space<hbm>> -> memref<625x16xf32, #tpu.memory_space<hbm>>
      tpu.wait_dma2 semaphore(%run_scoped3A : memref<!tpu.dma_semaphore, #tpu.memory_space<semaphore_mem>>) src(%dma_wait3A_47 : memref<625x16xf32, #tpu.memory_space<hbm>>) dst(%dma_wait3A_45 : memref<625x16xf32, #tpu.memory_space<vmem_shared>>)
      tpu.yield
    }) : () -> ()
    %mul3A_5 = arith.constant 2 : i32
    %mul3A_6 = arith.muli %arg1, %mul3A_5 : i32
    %add3A = arith.addi %mul3A_6, %arg0 : i32
    %mul3A_7 = arith.constant 40 : i32
    %mul3A_8 = arith.muli %add3A, %mul3A_7 : i32
    "tpu.region"() ({
      %run_scoped3A = tpu.sem_alloc : memref<!tpu.dma_semaphore, #tpu.memory_space<semaphore_mem>>
      %dma_start3A_41 = arith.constant 0 : i32
      %dma_start3A_42 = tpu.memref_slice %arg3[%mul3A_8, %dma_start3A_41] : memref<1280x128xi32, #tpu.memory_space<hbm>> -> memref<40x128xi32, #tpu.memory_space<hbm>>
      %dma_start3A_43 = arith.constant 0 : i32
      %dma_start3A_44 = tpu.memref_slice %arg3[%mul3A_8, %dma_start3A_43] : memref<1280x128xi32, #tpu.memory_space<hbm>> -> memref<40x128xi32, #tpu.memory_space<hbm>>
      tpu.enqueue_dma source(%dma_start3A_44 : memref<40x128xi32, #tpu.memory_space<hbm>>) target(%arg7 : memref<40x128xi32, #tpu.memory_space<vmem>>) target_semaphore(%run_scoped3A : memref<!tpu.dma_semaphore, #tpu.memory_space<semaphore_mem>>)
      %dma_wait3A = arith.constant 0 : i32
      %dma_wait3A_45 = tpu.memref_slice %arg3[%mul3A_8, %dma_wait3A] : memref<1280x128xi32, #tpu.memory_space<hbm>> -> memref<40x128xi32, #tpu.memory_space<hbm>>
      %dma_wait3A_46 = arith.constant 0 : i32
      %dma_wait3A_47 = tpu.memref_slice %arg3[%mul3A_8, %dma_wait3A_46] : memref<1280x128xi32, #tpu.memory_space<hbm>> -> memref<40x128xi32, #tpu.memory_space<hbm>>
      tpu.wait_dma2 semaphore(%run_scoped3A : memref<!tpu.dma_semaphore, #tpu.memory_space<semaphore_mem>>) src(%dma_wait3A_47 : memref<40x128xi32, #tpu.memory_space<hbm>>) dst(%arg7 : memref<40x128xi32, #tpu.memory_space<vmem>>)
      tpu.yield
    }) : () -> ()
    %mul3A_9 = arith.constant 40 : i32
    %mul3A_10 = arith.muli %add3A, %mul3A_9 : i32
    "tpu.region"() ({
      %run_scoped3A = tpu.sem_alloc : memref<!tpu.dma_semaphore, #tpu.memory_space<semaphore_mem>>
      %dma_start3A_41 = arith.constant 0 : i32
      %dma_start3A_42 = tpu.memref_slice %arg4[%mul3A_10, %dma_start3A_41] : memref<1280x128xi32, #tpu.memory_space<hbm>> -> memref<40x128xi32, #tpu.memory_space<hbm>>
      %dma_start3A_43 = arith.constant 0 : i32
      %dma_start3A_44 = tpu.memref_slice %arg4[%mul3A_10, %dma_start3A_43] : memref<1280x128xi32, #tpu.memory_space<hbm>> -> memref<40x128xi32, #tpu.memory_space<hbm>>
      tpu.enqueue_dma source(%dma_start3A_44 : memref<40x128xi32, #tpu.memory_space<hbm>>) target(%arg8 : memref<40x128xi32, #tpu.memory_space<vmem>>) target_semaphore(%run_scoped3A : memref<!tpu.dma_semaphore, #tpu.memory_space<semaphore_mem>>)
      %dma_wait3A = arith.constant 0 : i32
      %dma_wait3A_45 = tpu.memref_slice %arg4[%mul3A_10, %dma_wait3A] : memref<1280x128xi32, #tpu.memory_space<hbm>> -> memref<40x128xi32, #tpu.memory_space<hbm>>
      %dma_wait3A_46 = arith.constant 0 : i32
      %dma_wait3A_47 = tpu.memref_slice %arg4[%mul3A_10, %dma_wait3A_46] : memref<1280x128xi32, #tpu.memory_space<hbm>> -> memref<40x128xi32, #tpu.memory_space<hbm>>
      tpu.wait_dma2 semaphore(%run_scoped3A : memref<!tpu.dma_semaphore, #tpu.memory_space<semaphore_mem>>) src(%dma_wait3A_47 : memref<40x128xi32, #tpu.memory_space<hbm>>) dst(%arg8 : memref<40x128xi32, #tpu.memory_space<vmem>>)
      tpu.yield
    }) : () -> ()
    %barrier3A = arith.constant 0 : index
    tpu.barrier barrier_id(%barrier3A)
    %dma_start3A = arith.constant 0 : i32
    %dma_start3A_11 = arith.constant 0 : i32
    %dma_start3A_12 = arith.constant 0 : i32
    %dma_start3A_13 = arith.constant 0 : i32
    %dma_start3A_14 = tpu.memref_slice %arg9[%dma_start3A_11, %dma_start3A_12, %dma_start3A_13] : memref<4x128x16xf32, #tpu.memory_space<vmem>> -> memref<1x128x16xf32, #tpu.memory_space<vmem>>
    %dma_start3A_15 = tpu.memref_squeeze %dma_start3A_14 : memref<1x128x16xf32, #tpu.memory_space<vmem>> -> memref<128x16xf32, #tpu.memory_space<vmem>>
    %dma_start3A_16 = arith.constant 0 : i32
    %dma_start3A_17 = tpu.memref_slice %arg7[%dma_start3A, %dma_start3A_16] : memref<40x128xi32, #tpu.memory_space<vmem>> -> memref<1x128xi32, #tpu.memory_space<vmem>>
    %dma_start3A_18 = tpu.memref_squeeze %dma_start3A_17 : memref<1x128xi32, #tpu.memory_space<vmem>> -> memref<128xi32, #tpu.memory_space<vmem>>
    %dma_start3A_19 = arith.constant 0 : i32
    %dma_start3A_20 = arith.constant 0 : i32
    %dma_start3A_21 = tpu.memref_slice %arg12[%dma_start3A_19, %dma_start3A_20] : memref<10000x16xf32, #tpu.memory_space<vmem_shared>> -> memref<10000x16xf32, #tpu.memory_space<vmem_shared>>
    tpu.enqueue_indirect_dma source(%dma_start3A_21 : memref<10000x16xf32, #tpu.memory_space<vmem_shared>>) target(%dma_start3A_15 : memref<128x16xf32, #tpu.memory_space<vmem>>) offsets(%dma_start3A_18 : memref<128xi32, #tpu.memory_space<vmem>>) semaphore(%arg13 : memref<!tpu.dma_semaphore, #tpu.memory_space<semaphore_mem>>)
    %scan3A = arith.constant 0 : i32
    %scan3A_22 = arith.constant 0 : i32
    %scan3A_23 = arith.constant 20 : i32
    %scan3A_24 = arith.addi %scan3A_22, %scan3A_23 : i32
    %scan3A_25 = arith.constant 1 : i32
    scf.for %scan3A_41 = %scan3A_22 to %scan3A_24 step %scan3A_25  : i32 {
      %mul3A_42 = arith.constant 2 : i32
      %mul3A_43 = arith.muli %mul3A_42, %scan3A_41 : i32
      %rem3A_44 = arith.constant 4 : i32
      %rem3A_45 = arith.remsi %mul3A_43, %rem3A_44 : i32
      %add3A_46 = arith.constant 1 : i32
      %add3A_47 = arith.addi %mul3A_43, %add3A_46 : i32
      %rem3A_48 = arith.constant 4 : i32
      %rem3A_49 = arith.remsi %add3A_47, %rem3A_48 : i32
      %add3A_50 = arith.constant 2 : i32
      %add3A_51 = arith.addi %mul3A_43, %add3A_50 : i32
      %rem3A_52 = arith.constant 4 : i32
      %rem3A_53 = arith.remsi %add3A_51, %rem3A_52 : i32
      %add3A_54 = arith.constant 1 : i32
      %add3A_55 = arith.addi %mul3A_43, %add3A_54 : i32
      %dma_start3A_56 = arith.constant 0 : i32
      %dma_start3A_57 = arith.constant 0 : i32
      %dma_start3A_58 = tpu.memref_slice %arg9[%rem3A_49, %dma_start3A_56, %dma_start3A_57] : memref<4x128x16xf32, #tpu.memory_space<vmem>> -> memref<1x128x16xf32, #tpu.memory_space<vmem>>
      %dma_start3A_59 = tpu.memref_squeeze %dma_start3A_58 : memref<1x128x16xf32, #tpu.memory_space<vmem>> -> memref<128x16xf32, #tpu.memory_space<vmem>>
      %dma_start3A_60 = arith.constant 0 : i32
      %dma_start3A_61 = tpu.memref_slice %arg7[%add3A_55, %dma_start3A_60] : memref<40x128xi32, #tpu.memory_space<vmem>> -> memref<1x128xi32, #tpu.memory_space<vmem>>
      %dma_start3A_62 = tpu.memref_squeeze %dma_start3A_61 : memref<1x128xi32, #tpu.memory_space<vmem>> -> memref<128xi32, #tpu.memory_space<vmem>>
      %dma_start3A_63 = arith.constant 0 : i32
      %dma_start3A_64 = arith.constant 0 : i32
      %dma_start3A_65 = tpu.memref_slice %arg12[%dma_start3A_63, %dma_start3A_64] : memref<10000x16xf32, #tpu.memory_space<vmem_shared>> -> memref<10000x16xf32, #tpu.memory_space<vmem_shared>>
      tpu.enqueue_indirect_dma source(%dma_start3A_65 : memref<10000x16xf32, #tpu.memory_space<vmem_shared>>) target(%dma_start3A_59 : memref<128x16xf32, #tpu.memory_space<vmem>>) offsets(%dma_start3A_62 : memref<128xi32, #tpu.memory_space<vmem>>) semaphore(%arg14 : memref<!tpu.dma_semaphore, #tpu.memory_space<semaphore_mem>>)
      %dma_wait3A = arith.constant 0 : i32
      %dma_wait3A_66 = arith.constant 0 : i32
      %dma_wait3A_67 = tpu.memref_slice %arg9[%rem3A_45, %dma_wait3A, %dma_wait3A_66] : memref<4x128x16xf32, #tpu.memory_space<vmem>> -> memref<1x128x16xf32, #tpu.memory_space<vmem>>
      %dma_wait3A_68 = tpu.memref_squeeze %dma_wait3A_67 : memref<1x128x16xf32, #tpu.memory_space<vmem>> -> memref<128x16xf32, #tpu.memory_space<vmem>>
      %dma_wait3A_69 = arith.constant 0 : i32
      %dma_wait3A_70 = tpu.memref_slice %arg7[%mul3A_43, %dma_wait3A_69] : memref<40x128xi32, #tpu.memory_space<vmem>> -> memref<1x128xi32, #tpu.memory_space<vmem>>
      %dma_wait3A_71 = tpu.memref_squeeze %dma_wait3A_70 : memref<1x128xi32, #tpu.memory_space<vmem>> -> memref<128xi32, #tpu.memory_space<vmem>>
      %dma_wait3A_72 = arith.constant 0 : i32
      %dma_wait3A_73 = arith.constant 0 : i32
      %dma_wait3A_74 = tpu.memref_slice %arg12[%dma_wait3A_72, %dma_wait3A_73] : memref<10000x16xf32, #tpu.memory_space<vmem_shared>> -> memref<10000x16xf32, #tpu.memory_space<vmem_shared>>
      tpu.wait_indirect_dma semaphore(%arg13 : memref<!tpu.dma_semaphore, #tpu.memory_space<semaphore_mem>>) src(%dma_wait3A_74 : memref<10000x16xf32, #tpu.memory_space<vmem_shared>>) dst(%dma_wait3A_68 : memref<128x16xf32, #tpu.memory_space<vmem>>)
      "tpu.region"() ({
        %run_scoped3A = tpu.sem_alloc : memref<!tpu.dma_semaphore, #tpu.memory_space<semaphore_mem>>
        %dma_start3A_92 = arith.constant 0 : i32
        %dma_start3A_93 = arith.constant 0 : i32
        %dma_start3A_94 = tpu.memref_slice %arg9[%rem3A_45, %dma_start3A_92, %dma_start3A_93] : memref<4x128x16xf32, #tpu.memory_space<vmem>> -> memref<1x128x16xf32, #tpu.memory_space<vmem>>
        %dma_start3A_95 = tpu.memref_squeeze %dma_start3A_94 : memref<1x128x16xf32, #tpu.memory_space<vmem>> -> memref<128x16xf32, #tpu.memory_space<vmem>>
        %dma_start3A_96 = arith.constant 0 : i32
        %dma_start3A_97 = tpu.memref_slice %arg8[%mul3A_43, %dma_start3A_96] : memref<40x128xi32, #tpu.memory_space<vmem>> -> memref<1x128xi32, #tpu.memory_space<vmem>>
        %dma_start3A_98 = tpu.memref_squeeze %dma_start3A_97 : memref<1x128xi32, #tpu.memory_space<vmem>> -> memref<128xi32, #tpu.memory_space<vmem>>
        %dma_start3A_99 = arith.constant 0 : i32
        %dma_start3A_100 = arith.constant 0 : i32
        %dma_start3A_101 = tpu.memref_slice %arg11[%dma_start3A_99, %dma_start3A_100] : memref<10240x16xf32, #tpu.memory_space<vmem_shared>> -> memref<10240x16xf32, #tpu.memory_space<vmem_shared>>
        tpu.enqueue_indirect_dma source(%dma_start3A_95 : memref<128x16xf32, #tpu.memory_space<vmem>>) target(%dma_start3A_101 : memref<10240x16xf32, #tpu.memory_space<vmem_shared>>) offsets(%dma_start3A_98 : memref<128xi32, #tpu.memory_space<vmem>>) semaphore(%run_scoped3A : memref<!tpu.dma_semaphore, #tpu.memory_space<semaphore_mem>>) {add = true}
        %dma_wait3A_102 = arith.constant 0 : i32
        %dma_wait3A_103 = arith.constant 0 : i32
        %dma_wait3A_104 = tpu.memref_slice %arg9[%rem3A_45, %dma_wait3A_102, %dma_wait3A_103] : memref<4x128x16xf32, #tpu.memory_space<vmem>> -> memref<1x128x16xf32, #tpu.memory_space<vmem>>
        %dma_wait3A_105 = tpu.memref_squeeze %dma_wait3A_104 : memref<1x128x16xf32, #tpu.memory_space<vmem>> -> memref<128x16xf32, #tpu.memory_space<vmem>>
        %dma_wait3A_106 = arith.constant 0 : i32
        %dma_wait3A_107 = tpu.memref_slice %arg8[%mul3A_43, %dma_wait3A_106] : memref<40x128xi32, #tpu.memory_space<vmem>> -> memref<1x128xi32, #tpu.memory_space<vmem>>
        %dma_wait3A_108 = tpu.memref_squeeze %dma_wait3A_107 : memref<1x128xi32, #tpu.memory_space<vmem>> -> memref<128xi32, #tpu.memory_space<vmem>>
        %dma_wait3A_109 = arith.constant 0 : i32
        %dma_wait3A_110 = arith.constant 0 : i32
        %dma_wait3A_111 = tpu.memref_slice %arg11[%dma_wait3A_109, %dma_wait3A_110] : memref<10240x16xf32, #tpu.memory_space<vmem_shared>> -> memref<10240x16xf32, #tpu.memory_space<vmem_shared>>
        tpu.wait_indirect_dma semaphore(%run_scoped3A : memref<!tpu.dma_semaphore, #tpu.memory_space<semaphore_mem>>) src(%dma_wait3A_105 : memref<128x16xf32, #tpu.memory_space<vmem>>) dst(%dma_wait3A_111 : memref<10240x16xf32, #tpu.memory_space<vmem_shared>>)
        tpu.yield
      }) : () -> ()
      %lt3A_75 = arith.constant 19 : i32
      %lt3A_76 = arith.cmpi slt, %scan3A_41, %lt3A_75 : i32
      %convert_element_type3A = arith.extui %lt3A_76 : i1 to i32
      %cond3A = arith.constant 0 : i32
      %cond3A_77 = arith.cmpi ne, %convert_element_type3A, %cond3A : i32
      scf.if %cond3A_77 {
        %add3A_92 = arith.constant 2 : i32
        %add3A_93 = arith.addi %mul3A_43, %add3A_92 : i32
        %dma_start3A_94 = arith.constant 0 : i32
        %dma_start3A_95 = arith.constant 0 : i32
        %dma_start3A_96 = tpu.memref_slice %arg9[%rem3A_53, %dma_start3A_94, %dma_start3A_95] : memref<4x128x16xf32, #tpu.memory_space<vmem>> -> memref<1x128x16xf32, #tpu.memory_space<vmem>>
        %dma_start3A_97 = tpu.memref_squeeze %dma_start3A_96 : memref<1x128x16xf32, #tpu.memory_space<vmem>> -> memref<128x16xf32, #tpu.memory_space<vmem>>
        %dma_start3A_98 = arith.constant 0 : i32
        %dma_start3A_99 = tpu.memref_slice %arg7[%add3A_93, %dma_start3A_98] : memref<40x128xi32, #tpu.memory_space<vmem>> -> memref<1x128xi32, #tpu.memory_space<vmem>>
        %dma_start3A_100 = tpu.memref_squeeze %dma_start3A_99 : memref<1x128xi32, #tpu.memory_space<vmem>> -> memref<128xi32, #tpu.memory_space<vmem>>
        %dma_start3A_101 = arith.constant 0 : i32
        %dma_start3A_102 = arith.constant 0 : i32
        %dma_start3A_103 = tpu.memref_slice %arg12[%dma_start3A_101, %dma_start3A_102] : memref<10000x16xf32, #tpu.memory_space<vmem_shared>> -> memref<10000x16xf32, #tpu.memory_space<vmem_shared>>
        tpu.enqueue_indirect_dma source(%dma_start3A_103 : memref<10000x16xf32, #tpu.memory_space<vmem_shared>>) target(%dma_start3A_97 : memref<128x16xf32, #tpu.memory_space<vmem>>) offsets(%dma_start3A_100 : memref<128xi32, #tpu.memory_space<vmem>>) semaphore(%arg13 : memref<!tpu.dma_semaphore, #tpu.memory_space<semaphore_mem>>)
      } else {
      }
      %add3A_78 = arith.constant 1 : i32
      %add3A_79 = arith.addi %mul3A_43, %add3A_78 : i32
      %dma_wait3A_80 = arith.constant 0 : i32
      %dma_wait3A_81 = arith.constant 0 : i32
      %dma_wait3A_82 = tpu.memref_slice %arg9[%rem3A_49, %dma_wait3A_80, %dma_wait3A_81] : memref<4x128x16xf32, #tpu.memory_space<vmem>> -> memref<1x128x16xf32, #tpu.memory_space<vmem>>
      %dma_wait3A_83 = tpu.memref_squeeze %dma_wait3A_82 : memref<1x128x16xf32, #tpu.memory_space<vmem>> -> memref<128x16xf32, #tpu.memory_space<vmem>>
      %dma_wait3A_84 = arith.constant 0 : i32
      %dma_wait3A_85 = tpu.memref_slice %arg7[%add3A_79, %dma_wait3A_84] : memref<40x128xi32, #tpu.memory_space<vmem>> -> memref<1x128xi32, #tpu.memory_space<vmem>>
      %dma_wait3A_86 = tpu.memref_squeeze %dma_wait3A_85 : memref<1x128xi32, #tpu.memory_space<vmem>> -> memref<128xi32, #tpu.memory_space<vmem>>
      %dma_wait3A_87 = arith.constant 0 : i32
      %dma_wait3A_88 = arith.constant 0 : i32
      %dma_wait3A_89 = tpu.memref_slice %arg12[%dma_wait3A_87, %dma_wait3A_88] : memref<10000x16xf32, #tpu.memory_space<vmem_shared>> -> memref<10000x16xf32, #tpu.memory_space<vmem_shared>>
      tpu.wait_indirect_dma semaphore(%arg14 : memref<!tpu.dma_semaphore, #tpu.memory_space<semaphore_mem>>) src(%dma_wait3A_89 : memref<10000x16xf32, #tpu.memory_space<vmem_shared>>) dst(%dma_wait3A_83 : memref<128x16xf32, #tpu.memory_space<vmem>>)
      %add3A_90 = arith.constant 1 : i32
      %add3A_91 = arith.addi %mul3A_43, %add3A_90 : i32
      "tpu.region"() ({
        %run_scoped3A = tpu.sem_alloc : memref<!tpu.dma_semaphore, #tpu.memory_space<semaphore_mem>>
        %dma_start3A_92 = arith.constant 0 : i32
        %dma_start3A_93 = arith.constant 0 : i32
        %dma_start3A_94 = tpu.memref_slice %arg9[%rem3A_49, %dma_start3A_92, %dma_start3A_93] : memref<4x128x16xf32, #tpu.memory_space<vmem>> -> memref<1x128x16xf32, #tpu.memory_space<vmem>>
        %dma_start3A_95 = tpu.memref_squeeze %dma_start3A_94 : memref<1x128x16xf32, #tpu.memory_space<vmem>> -> memref<128x16xf32, #tpu.memory_space<vmem>>
        %dma_start3A_96 = arith.constant 0 : i32
        %dma_start3A_97 = tpu.memref_slice %arg8[%add3A_91, %dma_start3A_96] : memref<40x128xi32, #tpu.memory_space<vmem>> -> memref<1x128xi32, #tpu.memory_space<vmem>>
        %dma_start3A_98 = tpu.memref_squeeze %dma_start3A_97 : memref<1x128xi32, #tpu.memory_space<vmem>> -> memref<128xi32, #tpu.memory_space<vmem>>
        %dma_start3A_99 = arith.constant 0 : i32
        %dma_start3A_100 = arith.constant 0 : i32
        %dma_start3A_101 = tpu.memref_slice %arg11[%dma_start3A_99, %dma_start3A_100] : memref<10240x16xf32, #tpu.memory_space<vmem_shared>> -> memref<10240x16xf32, #tpu.memory_space<vmem_shared>>
        tpu.enqueue_indirect_dma source(%dma_start3A_95 : memref<128x16xf32, #tpu.memory_space<vmem>>) target(%dma_start3A_101 : memref<10240x16xf32, #tpu.memory_space<vmem_shared>>) offsets(%dma_start3A_98 : memref<128xi32, #tpu.memory_space<vmem>>) semaphore(%run_scoped3A : memref<!tpu.dma_semaphore, #tpu.memory_space<semaphore_mem>>) {add = true}
        %dma_wait3A_102 = arith.constant 0 : i32
        %dma_wait3A_103 = arith.constant 0 : i32
        %dma_wait3A_104 = tpu.memref_slice %arg9[%rem3A_49, %dma_wait3A_102, %dma_wait3A_103] : memref<4x128x16xf32, #tpu.memory_space<vmem>> -> memref<1x128x16xf32, #tpu.memory_space<vmem>>
        %dma_wait3A_105 = tpu.memref_squeeze %dma_wait3A_104 : memref<1x128x16xf32, #tpu.memory_space<vmem>> -> memref<128x16xf32, #tpu.memory_space<vmem>>
        %dma_wait3A_106 = arith.constant 0 : i32
        %dma_wait3A_107 = tpu.memref_slice %arg8[%add3A_91, %dma_wait3A_106] : memref<40x128xi32, #tpu.memory_space<vmem>> -> memref<1x128xi32, #tpu.memory_space<vmem>>
        %dma_wait3A_108 = tpu.memref_squeeze %dma_wait3A_107 : memref<1x128xi32, #tpu.memory_space<vmem>> -> memref<128xi32, #tpu.memory_space<vmem>>
        %dma_wait3A_109 = arith.constant 0 : i32
        %dma_wait3A_110 = arith.constant 0 : i32
        %dma_wait3A_111 = tpu.memref_slice %arg11[%dma_wait3A_109, %dma_wait3A_110] : memref<10240x16xf32, #tpu.memory_space<vmem_shared>> -> memref<10240x16xf32, #tpu.memory_space<vmem_shared>>
        tpu.wait_indirect_dma semaphore(%run_scoped3A : memref<!tpu.dma_semaphore, #tpu.memory_space<semaphore_mem>>) src(%dma_wait3A_105 : memref<128x16xf32, #tpu.memory_space<vmem>>) dst(%dma_wait3A_111 : memref<10240x16xf32, #tpu.memory_space<vmem_shared>>)
        tpu.yield
      }) : () -> ()
    }
    %scan3A_26 = arith.constant 20 : i32
    %barrier3A_27 = arith.constant 0 : index
    tpu.barrier barrier_id(%barrier3A_27)
    %mul3A_28 = arith.constant 640 : i32
    %mul3A_29 = arith.muli %arg1, %mul3A_28 : i32
    "tpu.region"() ({
      %run_scoped3A = tpu.sem_alloc : memref<!tpu.dma_semaphore, #tpu.memory_space<semaphore_mem>>
      %dma_start3A_41 = arith.constant 0 : i32
      %dma_start3A_42 = tpu.memref_slice %arg11[%mul3A_29, %dma_start3A_41] : memref<10240x16xf32, #tpu.memory_space<vmem_shared>> -> memref<640x16xf32, #tpu.memory_space<vmem_shared>>
      %dma_start3A_43 = arith.constant 0 : i32
      %dma_start3A_44 = tpu.memref_slice %arg11[%mul3A_29, %dma_start3A_43] : memref<10240x16xf32, #tpu.memory_space<vmem_shared>> -> memref<640x16xf32, #tpu.memory_space<vmem_shared>>
      tpu.enqueue_dma source(%dma_start3A_44 : memref<640x16xf32, #tpu.memory_space<vmem_shared>>) target(%arg10 : memref<640x16xf32, #tpu.memory_space<vmem>>) target_semaphore(%run_scoped3A : memref<!tpu.dma_semaphore, #tpu.memory_space<semaphore_mem>>)
      %dma_wait3A = arith.constant 0 : i32
      %dma_wait3A_45 = tpu.memref_slice %arg11[%mul3A_29, %dma_wait3A] : memref<10240x16xf32, #tpu.memory_space<vmem_shared>> -> memref<640x16xf32, #tpu.memory_space<vmem_shared>>
      %dma_wait3A_46 = arith.constant 0 : i32
      %dma_wait3A_47 = tpu.memref_slice %arg11[%mul3A_29, %dma_wait3A_46] : memref<10240x16xf32, #tpu.memory_space<vmem_shared>> -> memref<640x16xf32, #tpu.memory_space<vmem_shared>>
      tpu.wait_dma2 semaphore(%run_scoped3A : memref<!tpu.dma_semaphore, #tpu.memory_space<semaphore_mem>>) src(%dma_wait3A_47 : memref<640x16xf32, #tpu.memory_space<vmem_shared>>) dst(%arg10 : memref<640x16xf32, #tpu.memory_space<vmem>>)
      tpu.yield
    }) : () -> ()
    %jit3A = arith.constant 2 : i32
    %eq3A = arith.constant 0 : i32
    %eq3A_30 = arith.cmpi eq, %jit3A, %eq3A : i32
    %jit3A_31 = arith.constant 1 : i32
    %select_n3A = arith.select %eq3A_30, %jit3A_31, %jit3A : i32
    %rem3A = arith.remsi %add3A, %select_n3A : i32
    %ne3A = arith.constant 0 : i32
    %ne3A_32 = arith.cmpi ne, %rem3A, %ne3A : i32
    %lt3A = arith.constant 0 : i32
    %lt3A_33 = arith.cmpi slt, %rem3A, %lt3A : i32
    %lt3A_34 = arith.constant 0 : i32
    %lt3A_35 = arith.cmpi slt, %select_n3A, %lt3A_34 : i32
    %ne3A_36 = arith.xori %lt3A_33, %lt3A_35 : i1
    %and3A = arith.andi %ne3A_36, %ne3A_32 : i1
    %add3A_37 = arith.addi %rem3A, %select_n3A : i32
    %select_n3A_38 = arith.select %and3A, %add3A_37, %rem3A : i32
    %mul3A_39 = arith.constant 640 : i32
    %mul3A_40 = arith.muli %arg1, %mul3A_39 : i32
    "tpu.region"() ({
      %run_scoped3A = tpu.sem_alloc : memref<!tpu.dma_semaphore, #tpu.memory_space<semaphore_mem>>
      %dma_start3A_41 = arith.constant 0 : i32
      %dma_start3A_42 = tpu.memref_slice %arg6[%select_n3A_38, %mul3A_40, %dma_start3A_41] : memref<2x10240x16xf32, #tpu.memory_space<hbm>> -> memref<1x640x16xf32, #tpu.memory_space<hbm>>
      %dma_start3A_43 = tpu.memref_squeeze %dma_start3A_42 : memref<1x640x16xf32, #tpu.memory_space<hbm>> -> memref<640x16xf32, #tpu.memory_space<hbm>>
      %dma_start3A_44 = arith.constant 0 : i32
      %dma_start3A_45 = tpu.memref_slice %arg6[%select_n3A_38, %mul3A_40, %dma_start3A_44] : memref<2x10240x16xf32, #tpu.memory_space<hbm>> -> memref<1x640x16xf32, #tpu.memory_space<hbm>>
      %dma_start3A_46 = tpu.memref_squeeze %dma_start3A_45 : memref<1x640x16xf32, #tpu.memory_space<hbm>> -> memref<640x16xf32, #tpu.memory_space<hbm>>
      tpu.enqueue_dma source(%arg10 : memref<640x16xf32, #tpu.memory_space<vmem>>) target(%dma_start3A_46 : memref<640x16xf32, #tpu.memory_space<hbm>>) target_semaphore(%run_scoped3A : memref<!tpu.dma_semaphore, #tpu.memory_space<semaphore_mem>>)
      %dma_wait3A = arith.constant 0 : i32
      %dma_wait3A_47 = tpu.memref_slice %arg6[%select_n3A_38, %mul3A_40, %dma_wait3A] : memref<2x10240x16xf32, #tpu.memory_space<hbm>> -> memref<1x640x16xf32, #tpu.memory_space<hbm>>
      %dma_wait3A_48 = tpu.memref_squeeze %dma_wait3A_47 : memref<1x640x16xf32, #tpu.memory_space<hbm>> -> memref<640x16xf32, #tpu.memory_space<hbm>>
      %dma_wait3A_49 = arith.constant 0 : i32
      %dma_wait3A_50 = tpu.memref_slice %arg6[%select_n3A_38, %mul3A_40, %dma_wait3A_49] : memref<2x10240x16xf32, #tpu.memory_space<hbm>> -> memref<1x640x16xf32, #tpu.memory_space<hbm>>
      %dma_wait3A_51 = tpu.memref_squeeze %dma_wait3A_50 : memref<1x640x16xf32, #tpu.memory_space<hbm>> -> memref<640x16xf32, #tpu.memory_space<hbm>>
      tpu.wait_dma2 semaphore(%run_scoped3A : memref<!tpu.dma_semaphore, #tpu.memory_space<semaphore_mem>>) src(%arg10 : memref<640x16xf32, #tpu.memory_space<vmem>>) dst(%dma_wait3A_51 : memref<640x16xf32, #tpu.memory_space<hbm>>)
      tpu.yield
    }) : () -> ()
    return
  }
}

#map = affine_map<(d0, d1) -> (0, 0, 0)>
#map1 = affine_map<(d0, d1) -> (0)>
#map2 = affine_map<(d0, d1) -> (0, 0)>
module attributes {stable_mosaic.version = 14 : i64} {
  func.func @_seg_sum2_body(%arg0: i32, %arg1: i32, %arg2: memref<2x10240x16xf32, #tpu.memory_space<hbm>>, %arg3: memref<16xf32, #tpu.memory_space<hbm>>, %arg4: memref<1280x128xi32, #tpu.memory_space<hbm>>, %arg5: memref<1280x128xi32, #tpu.memory_space<hbm>>, %arg6: memref<640x16xf32, #tpu.memory_space<hbm>>, %arg7: memref<2x10240x16xf32, #tpu.memory_space<hbm>>, %arg8: memref<40x128xi32, #tpu.memory_space<vmem>>, %arg9: memref<40x128xi32, #tpu.memory_space<vmem>>, %arg10: memref<4x128x16xf32, #tpu.memory_space<vmem>>, %arg11: memref<640x16xf32, #tpu.memory_space<vmem>>, %arg12: memref<625x16xf32, #tpu.memory_space<vmem>>, %arg13: memref<625x16xf32, #tpu.memory_space<vmem>>, %arg14: memref<16xf32, #tpu.memory_space<vmem>>, %arg15: memref<10240x16xf32, #tpu.memory_space<vmem_shared>>, %arg16: memref<10000x16xf32, #tpu.memory_space<vmem_shared>>, %arg17: memref<!tpu.dma_semaphore, #tpu.memory_space<semaphore_mem>>, %arg18: memref<!tpu.dma_semaphore, #tpu.memory_space<semaphore_mem>>) attributes {dimension_semantics = [#tpu.dimension_semantics<core_parallel>, #tpu.dimension_semantics<subcore_parallel>], iteration_bounds = array<i64: 2, 16>, scalar_prefetch = 0 : i64, scratch_operands = 11 : i64, tpu.core_type = #tpu.core_type<sc_vector_subcore>, window_params = [{transform_indices = #map}, {transform_indices = #map1}, {transform_indices = #map2}, {transform_indices = #map2}, {transform_indices = #map2}, {transform_indices = #map}]} {
    "tpu.region"() ({
      %run_scoped3A_52 = tpu.sem_alloc : memref<!tpu.dma_semaphore, #tpu.memory_space<semaphore_mem>>
      tpu.enqueue_dma source(%arg6 : memref<640x16xf32, #tpu.memory_space<hbm>>) target(%arg11 : memref<640x16xf32, #tpu.memory_space<vmem>>) target_semaphore(%run_scoped3A_52 : memref<!tpu.dma_semaphore, #tpu.memory_space<semaphore_mem>>)
      tpu.wait_dma2 semaphore(%run_scoped3A_52 : memref<!tpu.dma_semaphore, #tpu.memory_space<semaphore_mem>>) src(%arg6 : memref<640x16xf32, #tpu.memory_space<hbm>>) dst(%arg11 : memref<640x16xf32, #tpu.memory_space<vmem>>)
      tpu.yield
    }) : () -> ()
    %mul3A = arith.constant 640 : i32
    %mul3A_0 = arith.muli %arg1, %mul3A : i32
    "tpu.region"() ({
      %run_scoped3A_52 = tpu.sem_alloc : memref<!tpu.dma_semaphore, #tpu.memory_space<semaphore_mem>>
      %dma_start3A_53 = arith.constant 0 : i32
      %dma_start3A_54 = tpu.memref_slice %arg15[%mul3A_0, %dma_start3A_53] : memref<10240x16xf32, #tpu.memory_space<vmem_shared>> -> memref<640x16xf32, #tpu.memory_space<vmem_shared>>
      %dma_start3A_55 = arith.constant 0 : i32
      %dma_start3A_56 = tpu.memref_slice %arg15[%mul3A_0, %dma_start3A_55] : memref<10240x16xf32, #tpu.memory_space<vmem_shared>> -> memref<640x16xf32, #tpu.memory_space<vmem_shared>>
      tpu.enqueue_dma source(%arg11 : memref<640x16xf32, #tpu.memory_space<vmem>>) target(%dma_start3A_56 : memref<640x16xf32, #tpu.memory_space<vmem_shared>>) target_semaphore(%run_scoped3A_52 : memref<!tpu.dma_semaphore, #tpu.memory_space<semaphore_mem>>)
      %dma_wait3A = arith.constant 0 : i32
      %dma_wait3A_57 = tpu.memref_slice %arg15[%mul3A_0, %dma_wait3A] : memref<10240x16xf32, #tpu.memory_space<vmem_shared>> -> memref<640x16xf32, #tpu.memory_space<vmem_shared>>
      %dma_wait3A_58 = arith.constant 0 : i32
      %dma_wait3A_59 = tpu.memref_slice %arg15[%mul3A_0, %dma_wait3A_58] : memref<10240x16xf32, #tpu.memory_space<vmem_shared>> -> memref<640x16xf32, #tpu.memory_space<vmem_shared>>
      tpu.wait_dma2 semaphore(%run_scoped3A_52 : memref<!tpu.dma_semaphore, #tpu.memory_space<semaphore_mem>>) src(%arg11 : memref<640x16xf32, #tpu.memory_space<vmem>>) dst(%dma_wait3A_59 : memref<640x16xf32, #tpu.memory_space<vmem_shared>>)
      tpu.yield
    }) : () -> ()
    %mul3A_1 = arith.constant 625 : i32
    %mul3A_2 = arith.muli %arg1, %mul3A_1 : i32
    %run_scoped3A = arith.constant 0 : i32
    "tpu.region"() ({
      %run_scoped3A_52 = tpu.sem_alloc : memref<!tpu.dma_semaphore, #tpu.memory_space<semaphore_mem>>
      %dma_start3A_53 = arith.constant 0 : i32
      %dma_start3A_54 = tpu.memref_slice %arg2[%run_scoped3A, %mul3A_2, %dma_start3A_53] : memref<2x10240x16xf32, #tpu.memory_space<hbm>> -> memref<1x625x16xf32, #tpu.memory_space<hbm>>
      %dma_start3A_55 = tpu.memref_squeeze %dma_start3A_54 : memref<1x625x16xf32, #tpu.memory_space<hbm>> -> memref<625x16xf32, #tpu.memory_space<hbm>>
      %dma_start3A_56 = arith.constant 0 : i32
      %dma_start3A_57 = tpu.memref_slice %arg2[%run_scoped3A, %mul3A_2, %dma_start3A_56] : memref<2x10240x16xf32, #tpu.memory_space<hbm>> -> memref<1x625x16xf32, #tpu.memory_space<hbm>>
      %dma_start3A_58 = tpu.memref_squeeze %dma_start3A_57 : memref<1x625x16xf32, #tpu.memory_space<hbm>> -> memref<625x16xf32, #tpu.memory_space<hbm>>
      tpu.enqueue_dma source(%dma_start3A_58 : memref<625x16xf32, #tpu.memory_space<hbm>>) target(%arg12 : memref<625x16xf32, #tpu.memory_space<vmem>>) target_semaphore(%run_scoped3A_52 : memref<!tpu.dma_semaphore, #tpu.memory_space<semaphore_mem>>)
      %dma_wait3A = arith.constant 0 : i32
      %dma_wait3A_59 = tpu.memref_slice %arg2[%run_scoped3A, %mul3A_2, %dma_wait3A] : memref<2x10240x16xf32, #tpu.memory_space<hbm>> -> memref<1x625x16xf32, #tpu.memory_space<hbm>>
      %dma_wait3A_60 = tpu.memref_squeeze %dma_wait3A_59 : memref<1x625x16xf32, #tpu.memory_space<hbm>> -> memref<625x16xf32, #tpu.memory_space<hbm>>
      %dma_wait3A_61 = arith.constant 0 : i32
      %dma_wait3A_62 = tpu.memref_slice %arg2[%run_scoped3A, %mul3A_2, %dma_wait3A_61] : memref<2x10240x16xf32, #tpu.memory_space<hbm>> -> memref<1x625x16xf32, #tpu.memory_space<hbm>>
      %dma_wait3A_63 = tpu.memref_squeeze %dma_wait3A_62 : memref<1x625x16xf32, #tpu.memory_space<hbm>> -> memref<625x16xf32, #tpu.memory_space<hbm>>
      tpu.wait_dma2 semaphore(%run_scoped3A_52 : memref<!tpu.dma_semaphore, #tpu.memory_space<semaphore_mem>>) src(%dma_wait3A_63 : memref<625x16xf32, #tpu.memory_space<hbm>>) dst(%arg12 : memref<625x16xf32, #tpu.memory_space<vmem>>)
      tpu.yield
    }) : () -> ()
    %mul3A_3 = arith.constant 625 : i32
    %mul3A_4 = arith.muli %arg1, %mul3A_3 : i32
    %run_scoped3A_5 = arith.constant 1 : i32
    "tpu.region"() ({
      %run_scoped3A_52 = tpu.sem_alloc : memref<!tpu.dma_semaphore, #tpu.memory_space<semaphore_mem>>
      %dma_start3A_53 = arith.constant 0 : i32
      %dma_start3A_54 = tpu.memref_slice %arg2[%run_scoped3A_5, %mul3A_4, %dma_start3A_53] : memref<2x10240x16xf32, #tpu.memory_space<hbm>> -> memref<1x625x16xf32, #tpu.memory_space<hbm>>
      %dma_start3A_55 = tpu.memref_squeeze %dma_start3A_54 : memref<1x625x16xf32, #tpu.memory_space<hbm>> -> memref<625x16xf32, #tpu.memory_space<hbm>>
      %dma_start3A_56 = arith.constant 0 : i32
      %dma_start3A_57 = tpu.memref_slice %arg2[%run_scoped3A_5, %mul3A_4, %dma_start3A_56] : memref<2x10240x16xf32, #tpu.memory_space<hbm>> -> memref<1x625x16xf32, #tpu.memory_space<hbm>>
      %dma_start3A_58 = tpu.memref_squeeze %dma_start3A_57 : memref<1x625x16xf32, #tpu.memory_space<hbm>> -> memref<625x16xf32, #tpu.memory_space<hbm>>
      tpu.enqueue_dma source(%dma_start3A_58 : memref<625x16xf32, #tpu.memory_space<hbm>>) target(%arg13 : memref<625x16xf32, #tpu.memory_space<vmem>>) target_semaphore(%run_scoped3A_52 : memref<!tpu.dma_semaphore, #tpu.memory_space<semaphore_mem>>)
      %dma_wait3A = arith.constant 0 : i32
      %dma_wait3A_59 = tpu.memref_slice %arg2[%run_scoped3A_5, %mul3A_4, %dma_wait3A] : memref<2x10240x16xf32, #tpu.memory_space<hbm>> -> memref<1x625x16xf32, #tpu.memory_space<hbm>>
      %dma_wait3A_60 = tpu.memref_squeeze %dma_wait3A_59 : memref<1x625x16xf32, #tpu.memory_space<hbm>> -> memref<625x16xf32, #tpu.memory_space<hbm>>
      %dma_wait3A_61 = arith.constant 0 : i32
      %dma_wait3A_62 = tpu.memref_slice %arg2[%run_scoped3A_5, %mul3A_4, %dma_wait3A_61] : memref<2x10240x16xf32, #tpu.memory_space<hbm>> -> memref<1x625x16xf32, #tpu.memory_space<hbm>>
      %dma_wait3A_63 = tpu.memref_squeeze %dma_wait3A_62 : memref<1x625x16xf32, #tpu.memory_space<hbm>> -> memref<625x16xf32, #tpu.memory_space<hbm>>
      tpu.wait_dma2 semaphore(%run_scoped3A_52 : memref<!tpu.dma_semaphore, #tpu.memory_space<semaphore_mem>>) src(%dma_wait3A_63 : memref<625x16xf32, #tpu.memory_space<hbm>>) dst(%arg13 : memref<625x16xf32, #tpu.memory_space<vmem>>)
      tpu.yield
    }) : () -> ()
    "tpu.region"() ({
      %run_scoped3A_52 = tpu.sem_alloc : memref<!tpu.dma_semaphore, #tpu.memory_space<semaphore_mem>>
      tpu.enqueue_dma source(%arg3 : memref<16xf32, #tpu.memory_space<hbm>>) target(%arg14 : memref<16xf32, #tpu.memory_space<vmem>>) target_semaphore(%run_scoped3A_52 : memref<!tpu.dma_semaphore, #tpu.memory_space<semaphore_mem>>)
      tpu.wait_dma2 semaphore(%run_scoped3A_52 : memref<!tpu.dma_semaphore, #tpu.memory_space<semaphore_mem>>) src(%arg3 : memref<16xf32, #tpu.memory_space<hbm>>) dst(%arg14 : memref<16xf32, #tpu.memory_space<vmem>>)
      tpu.yield
    }) : () -> ()
    %get3A = arith.constant 0 : index
    %get3A_6 = tpu.vector_load %arg14[%get3A] {strides = array<i32>} : memref<16xf32, #tpu.memory_space<vmem>>, vector<16xf32>,
    %get3A_7 = vector.shape_cast %get3A_6 : vector<16xf32> to vector<16xf32>
    %scan3A = arith.constant 0 : i32
    %scan3A_8 = arith.constant 0 : i32
    %scan3A_9 = arith.constant 625 : i32
    %scan3A_10 = arith.addi %scan3A_8, %scan3A_9 : i32
    %scan3A_11 = arith.constant 1 : i32
    scf.for %scan3A_52 = %scan3A_8 to %scan3A_10 step %scan3A_11  : i32 {
      %get3A_53 = arith.index_cast %scan3A_52 : i32 to index
      %get3A_54 = arith.constant 0 : index
      %get3A_55 = tpu.vector_load %arg12[%get3A_53, %get3A_54] {strides = array<i32>} : memref<625x16xf32, #tpu.memory_space<vmem>>, vector<1x16xf32>,
      %get3A_56 = vector.shape_cast %get3A_55 : vector<1x16xf32> to vector<16xf32>
      %get3A_57 = arith.index_cast %scan3A_52 : i32 to index
      %get3A_58 = arith.constant 0 : index
      %get3A_59 = tpu.vector_load %arg13[%get3A_57, %get3A_58] {strides = array<i32>} : memref<625x16xf32, #tpu.memory_space<vmem>>, vector<1x16xf32>,
      %get3A_60 = vector.shape_cast %get3A_59 : vector<1x16xf32> to vector<16xf32>
      %add3A_61 = arith.addf %get3A_56, %get3A_60 : vector<16xf32>
      %add3A_62 = arith.addf %add3A_61, %get3A_7 : vector<16xf32>
      %max3A = arith.constant 0.000000e+00 : f32
      %max3A_63 = vector.broadcast %max3A : f32 to vector<16xf32>
      %max3A_64 = arith.maximumf %add3A_62, %max3A_63 : vector<16xf32>
      %swap3A = arith.index_cast %scan3A_52 : i32 to index
      %swap3A_65 = arith.constant 0 : index
      %swap3A_66 = tpu.vector_load %arg11[%swap3A, %swap3A_65] {strides = array<i32>} : memref<640x16xf32, #tpu.memory_space<vmem>>, vector<1x16xf32>,
      %swap3A_67 = vector.shape_cast %swap3A_66 : vector<1x16xf32> to vector<16xf32>
      %swap3A_68 = vector.shape_cast %max3A_64 : vector<16xf32> to vector<1x16xf32>
      tpu.vector_store %arg11[%swap3A, %swap3A_65], %swap3A_68 {strides = array<i32>} : memref<640x16xf32, #tpu.memory_space<vmem>>, vector<1x16xf32>,
    }
    %scan3A_12 = arith.constant 625 : i32
    %mul3A_13 = arith.constant 625 : i32
    %mul3A_14 = arith.muli %arg1, %mul3A_13 : i32
    "tpu.region"() ({
      %run_scoped3A_52 = tpu.sem_alloc : memref<!tpu.dma_semaphore, #tpu.memory_space<semaphore_mem>>
      %dma_start3A_53 = arith.constant 0 : i32
      %dma_start3A_54 = arith.constant 0 : i32
      %dma_start3A_55 = tpu.memref_slice %arg11[%dma_start3A_53, %dma_start3A_54] : memref<640x16xf32, #tpu.memory_space<vmem>> -> memref<625x16xf32, #tpu.memory_space<vmem>>
      %dma_start3A_56 = arith.constant 0 : i32
      %dma_start3A_57 = tpu.memref_slice %arg16[%mul3A_14, %dma_start3A_56] : memref<10000x16xf32, #tpu.memory_space<vmem_shared>> -> memref<625x16xf32, #tpu.memory_space<vmem_shared>>
      %dma_start3A_58 = arith.constant 0 : i32
      %dma_start3A_59 = tpu.memref_slice %arg16[%mul3A_14, %dma_start3A_58] : memref<10000x16xf32, #tpu.memory_space<vmem_shared>> -> memref<625x16xf32, #tpu.memory_space<vmem_shared>>
      %dma_start3A_60 = arith.constant 0 : i32
      %dma_start3A_61 = arith.constant 0 : i32
      %dma_start3A_62 = tpu.memref_slice %arg11[%dma_start3A_60, %dma_start3A_61] : memref<640x16xf32, #tpu.memory_space<vmem>> -> memref<625x16xf32, #tpu.memory_space<vmem>>
      tpu.enqueue_dma source(%dma_start3A_62 : memref<625x16xf32, #tpu.memory_space<vmem>>) target(%dma_start3A_59 : memref<625x16xf32, #tpu.memory_space<vmem_shared>>) target_semaphore(%run_scoped3A_52 : memref<!tpu.dma_semaphore, #tpu.memory_space<semaphore_mem>>)
      %dma_wait3A = arith.constant 0 : i32
      %dma_wait3A_63 = arith.constant 0 : i32
      %dma_wait3A_64 = tpu.memref_slice %arg11[%dma_wait3A, %dma_wait3A_63] : memref<640x16xf32, #tpu.memory_space<vmem>> -> memref<625x16xf32, #tpu.memory_space<vmem>>
      %dma_wait3A_65 = arith.constant 0 : i32
      %dma_wait3A_66 = tpu.memref_slice %arg16[%mul3A_14, %dma_wait3A_65] : memref<10000x16xf32, #tpu.memory_space<vmem_shared>> -> memref<625x16xf32, #tpu.memory_space<vmem_shared>>
      %dma_wait3A_67 = arith.constant 0 : i32
      %dma_wait3A_68 = tpu.memref_slice %arg16[%mul3A_14, %dma_wait3A_67] : memref<10000x16xf32, #tpu.memory_space<vmem_shared>> -> memref<625x16xf32, #tpu.memory_space<vmem_shared>>
      %dma_wait3A_69 = arith.constant 0 : i32
      %dma_wait3A_70 = arith.constant 0 : i32
      %dma_wait3A_71 = tpu.memref_slice %arg11[%dma_wait3A_69, %dma_wait3A_70] : memref<640x16xf32, #tpu.memory_space<vmem>> -> memref<625x16xf32, #tpu.memory_space<vmem>>
      tpu.wait_dma2 semaphore(%run_scoped3A_52 : memref<!tpu.dma_semaphore, #tpu.memory_space<semaphore_mem>>) src(%dma_wait3A_71 : memref<625x16xf32, #tpu.memory_space<vmem>>) dst(%dma_wait3A_68 : memref<625x16xf32, #tpu.memory_space<vmem_shared>>)
      tpu.yield
    }) : () -> ()
    %mul3A_15 = arith.constant 2 : i32
    %mul3A_16 = arith.muli %arg1, %mul3A_15 : i32
    %add3A = arith.addi %mul3A_16, %arg0 : i32
    %mul3A_17 = arith.constant 40 : i32
    %mul3A_18 = arith.muli %add3A, %mul3A_17 : i32
    "tpu.region"() ({
      %run_scoped3A_52 = tpu.sem_alloc : memref<!tpu.dma_semaphore, #tpu.memory_space<semaphore_mem>>
      %dma_start3A_53 = arith.constant 0 : i32
      %dma_start3A_54 = tpu.memref_slice %arg4[%mul3A_18, %dma_start3A_53] : memref<1280x128xi32, #tpu.memory_space<hbm>> -> memref<40x128xi32, #tpu.memory_space<hbm>>
      %dma_start3A_55 = arith.constant 0 : i32
      %dma_start3A_56 = tpu.memref_slice %arg4[%mul3A_18, %dma_start3A_55] : memref<1280x128xi32, #tpu.memory_space<hbm>> -> memref<40x128xi32, #tpu.memory_space<hbm>>
      tpu.enqueue_dma source(%dma_start3A_56 : memref<40x128xi32, #tpu.memory_space<hbm>>) target(%arg8 : memref<40x128xi32, #tpu.memory_space<vmem>>) target_semaphore(%run_scoped3A_52 : memref<!tpu.dma_semaphore, #tpu.memory_space<semaphore_mem>>)
      %dma_wait3A = arith.constant 0 : i32
      %dma_wait3A_57 = tpu.memref_slice %arg4[%mul3A_18, %dma_wait3A] : memref<1280x128xi32, #tpu.memory_space<hbm>> -> memref<40x128xi32, #tpu.memory_space<hbm>>
      %dma_wait3A_58 = arith.constant 0 : i32
      %dma_wait3A_59 = tpu.memref_slice %arg4[%mul3A_18, %dma_wait3A_58] : memref<1280x128xi32, #tpu.memory_space<hbm>> -> memref<40x128xi32, #tpu.memory_space<hbm>>
      tpu.wait_dma2 semaphore(%run_scoped3A_52 : memref<!tpu.dma_semaphore, #tpu.memory_space<semaphore_mem>>) src(%dma_wait3A_59 : memref<40x128xi32, #tpu.memory_space<hbm>>) dst(%arg8 : memref<40x128xi32, #tpu.memory_space<vmem>>)
      tpu.yield
    }) : () -> ()
    %mul3A_19 = arith.constant 40 : i32
    %mul3A_20 = arith.muli %add3A, %mul3A_19 : i32
    "tpu.region"() ({
      %run_scoped3A_52 = tpu.sem_alloc : memref<!tpu.dma_semaphore, #tpu.memory_space<semaphore_mem>>
      %dma_start3A_53 = arith.constant 0 : i32
      %dma_start3A_54 = tpu.memref_slice %arg5[%mul3A_20, %dma_start3A_53] : memref<1280x128xi32, #tpu.memory_space<hbm>> -> memref<40x128xi32, #tpu.memory_space<hbm>>
      %dma_start3A_55 = arith.constant 0 : i32
      %dma_start3A_56 = tpu.memref_slice %arg5[%mul3A_20, %dma_start3A_55] : memref<1280x128xi32, #tpu.memory_space<hbm>> -> memref<40x128xi32, #tpu.memory_space<hbm>>
      tpu.enqueue_dma source(%dma_start3A_56 : memref<40x128xi32, #tpu.memory_space<hbm>>) target(%arg9 : memref<40x128xi32, #tpu.memory_space<vmem>>) target_semaphore(%run_scoped3A_52 : memref<!tpu.dma_semaphore, #tpu.memory_space<semaphore_mem>>)
      %dma_wait3A = arith.constant 0 : i32
      %dma_wait3A_57 = tpu.memref_slice %arg5[%mul3A_20, %dma_wait3A] : memref<1280x128xi32, #tpu.memory_space<hbm>> -> memref<40x128xi32, #tpu.memory_space<hbm>>
      %dma_wait3A_58 = arith.constant 0 : i32
      %dma_wait3A_59 = tpu.memref_slice %arg5[%mul3A_20, %dma_wait3A_58] : memref<1280x128xi32, #tpu.memory_space<hbm>> -> memref<40x128xi32, #tpu.memory_space<hbm>>
      tpu.wait_dma2 semaphore(%run_scoped3A_52 : memref<!tpu.dma_semaphore, #tpu.memory_space<semaphore_mem>>) src(%dma_wait3A_59 : memref<40x128xi32, #tpu.memory_space<hbm>>) dst(%arg9 : memref<40x128xi32, #tpu.memory_space<vmem>>)
      tpu.yield
    }) : () -> ()
    %barrier3A = arith.constant 0 : index
    tpu.barrier barrier_id(%barrier3A)
    %dma_start3A = arith.constant 0 : i32
    %dma_start3A_21 = arith.constant 0 : i32
    %dma_start3A_22 = arith.constant 0 : i32
    %dma_start3A_23 = arith.constant 0 : i32
    %dma_start3A_24 = tpu.memref_slice %arg10[%dma_start3A_21, %dma_start3A_22, %dma_start3A_23] : memref<4x128x16xf32, #tpu.memory_space<vmem>> -> memref<1x128x16xf32, #tpu.memory_space<vmem>>
    %dma_start3A_25 = tpu.memref_squeeze %dma_start3A_24 : memref<1x128x16xf32, #tpu.memory_space<vmem>> -> memref<128x16xf32, #tpu.memory_space<vmem>>
    %dma_start3A_26 = arith.constant 0 : i32
    %dma_start3A_27 = tpu.memref_slice %arg8[%dma_start3A, %dma_start3A_26] : memref<40x128xi32, #tpu.memory_space<vmem>> -> memref<1x128xi32, #tpu.memory_space<vmem>>
    %dma_start3A_28 = tpu.memref_squeeze %dma_start3A_27 : memref<1x128xi32, #tpu.memory_space<vmem>> -> memref<128xi32, #tpu.memory_space<vmem>>
    %dma_start3A_29 = arith.constant 0 : i32
    %dma_start3A_30 = arith.constant 0 : i32
    %dma_start3A_31 = tpu.memref_slice %arg16[%dma_start3A_29, %dma_start3A_30] : memref<10000x16xf32, #tpu.memory_space<vmem_shared>> -> memref<10000x16xf32, #tpu.memory_space<vmem_shared>>
    tpu.enqueue_indirect_dma source(%dma_start3A_31 : memref<10000x16xf32, #tpu.memory_space<vmem_shared>>) target(%dma_start3A_25 : memref<128x16xf32, #tpu.memory_space<vmem>>) offsets(%dma_start3A_28 : memref<128xi32, #tpu.memory_space<vmem>>) semaphore(%arg17 : memref<!tpu.dma_semaphore, #tpu.memory_space<semaphore_mem>>)
    %scan3A_32 = arith.constant 0 : i32
    %scan3A_33 = arith.constant 0 : i32
    %scan3A_34 = arith.constant 20 : i32
    %scan3A_35 = arith.addi %scan3A_33, %scan3A_34 : i32
    %scan3A_36 = arith.constant 1 : i32
    scf.for %scan3A_52 = %scan3A_33 to %scan3A_35 step %scan3A_36  : i32 {
      %mul3A_53 = arith.constant 2 : i32
      %mul3A_54 = arith.muli %mul3A_53, %scan3A_52 : i32
      %rem3A_55 = arith.constant 4 : i32
      %rem3A_56 = arith.remsi %mul3A_54, %rem3A_55 : i32
      %add3A_57 = arith.constant 1 : i32
      %add3A_58 = arith.addi %mul3A_54, %add3A_57 : i32
      %rem3A_59 = arith.constant 4 : i32
      %rem3A_60 = arith.remsi %add3A_58, %rem3A_59 : i32
      %add3A_61 = arith.constant 2 : i32
      %add3A_62 = arith.addi %mul3A_54, %add3A_61 : i32
      %rem3A_63 = arith.constant 4 : i32
      %rem3A_64 = arith.remsi %add3A_62, %rem3A_63 : i32
      %add3A_65 = arith.constant 1 : i32
      %add3A_66 = arith.addi %mul3A_54, %add3A_65 : i32
      %dma_start3A_67 = arith.constant 0 : i32
      %dma_start3A_68 = arith.constant 0 : i32
      %dma_start3A_69 = tpu.memref_slice %arg10[%rem3A_60, %dma_start3A_67, %dma_start3A_68] : memref<4x128x16xf32, #tpu.memory_space<vmem>> -> memref<1x128x16xf32, #tpu.memory_space<vmem>>
      %dma_start3A_70 = tpu.memref_squeeze %dma_start3A_69 : memref<1x128x16xf32, #tpu.memory_space<vmem>> -> memref<128x16xf32, #tpu.memory_space<vmem>>
      %dma_start3A_71 = arith.constant 0 : i32
      %dma_start3A_72 = tpu.memref_slice %arg8[%add3A_66, %dma_start3A_71] : memref<40x128xi32, #tpu.memory_space<vmem>> -> memref<1x128xi32, #tpu.memory_space<vmem>>
      %dma_start3A_73 = tpu.memref_squeeze %dma_start3A_72 : memref<1x128xi32, #tpu.memory_space<vmem>> -> memref<128xi32, #tpu.memory_space<vmem>>
      %dma_start3A_74 = arith.constant 0 : i32
      %dma_start3A_75 = arith.constant 0 : i32
      %dma_start3A_76 = tpu.memref_slice %arg16[%dma_start3A_74, %dma_start3A_75] : memref<10000x16xf32, #tpu.memory_space<vmem_shared>> -> memref<10000x16xf32, #tpu.memory_space<vmem_shared>>
      tpu.enqueue_indirect_dma source(%dma_start3A_76 : memref<10000x16xf32, #tpu.memory_space<vmem_shared>>) target(%dma_start3A_70 : memref<128x16xf32, #tpu.memory_space<vmem>>) offsets(%dma_start3A_73 : memref<128xi32, #tpu.memory_space<vmem>>) semaphore(%arg18 : memref<!tpu.dma_semaphore, #tpu.memory_space<semaphore_mem>>)
      %dma_wait3A = arith.constant 0 : i32
      %dma_wait3A_77 = arith.constant 0 : i32
      %dma_wait3A_78 = tpu.memref_slice %arg10[%rem3A_56, %dma_wait3A, %dma_wait3A_77] : memref<4x128x16xf32, #tpu.memory_space<vmem>> -> memref<1x128x16xf32, #tpu.memory_space<vmem>>
      %dma_wait3A_79 = tpu.memref_squeeze %dma_wait3A_78 : memref<1x128x16xf32, #tpu.memory_space<vmem>> -> memref<128x16xf32, #tpu.memory_space<vmem>>
      %dma_wait3A_80 = arith.constant 0 : i32
      %dma_wait3A_81 = tpu.memref_slice %arg8[%mul3A_54, %dma_wait3A_80] : memref<40x128xi32, #tpu.memory_space<vmem>> -> memref<1x128xi32, #tpu.memory_space<vmem>>
      %dma_wait3A_82 = tpu.memref_squeeze %dma_wait3A_81 : memref<1x128xi32, #tpu.memory_space<vmem>> -> memref<128xi32, #tpu.memory_space<vmem>>
      %dma_wait3A_83 = arith.constant 0 : i32
      %dma_wait3A_84 = arith.constant 0 : i32
      %dma_wait3A_85 = tpu.memref_slice %arg16[%dma_wait3A_83, %dma_wait3A_84] : memref<10000x16xf32, #tpu.memory_space<vmem_shared>> -> memref<10000x16xf32, #tpu.memory_space<vmem_shared>>
      tpu.wait_indirect_dma semaphore(%arg17 : memref<!tpu.dma_semaphore, #tpu.memory_space<semaphore_mem>>) src(%dma_wait3A_85 : memref<10000x16xf32, #tpu.memory_space<vmem_shared>>) dst(%dma_wait3A_79 : memref<128x16xf32, #tpu.memory_space<vmem>>)
      "tpu.region"() ({
        %run_scoped3A_103 = tpu.sem_alloc : memref<!tpu.dma_semaphore, #tpu.memory_space<semaphore_mem>>
        %dma_start3A_104 = arith.constant 0 : i32
        %dma_start3A_105 = arith.constant 0 : i32
        %dma_start3A_106 = tpu.memref_slice %arg10[%rem3A_56, %dma_start3A_104, %dma_start3A_105] : memref<4x128x16xf32, #tpu.memory_space<vmem>> -> memref<1x128x16xf32, #tpu.memory_space<vmem>>
        %dma_start3A_107 = tpu.memref_squeeze %dma_start3A_106 : memref<1x128x16xf32, #tpu.memory_space<vmem>> -> memref<128x16xf32, #tpu.memory_space<vmem>>
        %dma_start3A_108 = arith.constant 0 : i32
        %dma_start3A_109 = tpu.memref_slice %arg9[%mul3A_54, %dma_start3A_108] : memref<40x128xi32, #tpu.memory_space<vmem>> -> memref<1x128xi32, #tpu.memory_space<vmem>>
        %dma_start3A_110 = tpu.memref_squeeze %dma_start3A_109 : memref<1x128xi32, #tpu.memory_space<vmem>> -> memref<128xi32, #tpu.memory_space<vmem>>
        %dma_start3A_111 = arith.constant 0 : i32
        %dma_start3A_112 = arith.constant 0 : i32
        %dma_start3A_113 = tpu.memref_slice %arg15[%dma_start3A_111, %dma_start3A_112] : memref<10240x16xf32, #tpu.memory_space<vmem_shared>> -> memref<10240x16xf32, #tpu.memory_space<vmem_shared>>
        tpu.enqueue_indirect_dma source(%dma_start3A_107 : memref<128x16xf32, #tpu.memory_space<vmem>>) target(%dma_start3A_113 : memref<10240x16xf32, #tpu.memory_space<vmem_shared>>) offsets(%dma_start3A_110 : memref<128xi32, #tpu.memory_space<vmem>>) semaphore(%run_scoped3A_103 : memref<!tpu.dma_semaphore, #tpu.memory_space<semaphore_mem>>) {add = true}
        %dma_wait3A_114 = arith.constant 0 : i32
        %dma_wait3A_115 = arith.constant 0 : i32
        %dma_wait3A_116 = tpu.memref_slice %arg10[%rem3A_56, %dma_wait3A_114, %dma_wait3A_115] : memref<4x128x16xf32, #tpu.memory_space<vmem>> -> memref<1x128x16xf32, #tpu.memory_space<vmem>>
        %dma_wait3A_117 = tpu.memref_squeeze %dma_wait3A_116 : memref<1x128x16xf32, #tpu.memory_space<vmem>> -> memref<128x16xf32, #tpu.memory_space<vmem>>
        %dma_wait3A_118 = arith.constant 0 : i32
        %dma_wait3A_119 = tpu.memref_slice %arg9[%mul3A_54, %dma_wait3A_118] : memref<40x128xi32, #tpu.memory_space<vmem>> -> memref<1x128xi32, #tpu.memory_space<vmem>>
        %dma_wait3A_120 = tpu.memref_squeeze %dma_wait3A_119 : memref<1x128xi32, #tpu.memory_space<vmem>> -> memref<128xi32, #tpu.memory_space<vmem>>
        %dma_wait3A_121 = arith.constant 0 : i32
        %dma_wait3A_122 = arith.constant 0 : i32
        %dma_wait3A_123 = tpu.memref_slice %arg15[%dma_wait3A_121, %dma_wait3A_122] : memref<10240x16xf32, #tpu.memory_space<vmem_shared>> -> memref<10240x16xf32, #tpu.memory_space<vmem_shared>>
        tpu.wait_indirect_dma semaphore(%run_scoped3A_103 : memref<!tpu.dma_semaphore, #tpu.memory_space<semaphore_mem>>) src(%dma_wait3A_117 : memref<128x16xf32, #tpu.memory_space<vmem>>) dst(%dma_wait3A_123 : memref<10240x16xf32, #tpu.memory_space<vmem_shared>>)
        tpu.yield
      }) : () -> ()
      %lt3A_86 = arith.constant 19 : i32
      %lt3A_87 = arith.cmpi slt, %scan3A_52, %lt3A_86 : i32
      %convert_element_type3A = arith.extui %lt3A_87 : i1 to i32
      %cond3A = arith.constant 0 : i32
      %cond3A_88 = arith.cmpi ne, %convert_element_type3A, %cond3A : i32
      scf.if %cond3A_88 {
        %add3A_103 = arith.constant 2 : i32
        %add3A_104 = arith.addi %mul3A_54, %add3A_103 : i32
        %dma_start3A_105 = arith.constant 0 : i32
        %dma_start3A_106 = arith.constant 0 : i32
        %dma_start3A_107 = tpu.memref_slice %arg10[%rem3A_64, %dma_start3A_105, %dma_start3A_106] : memref<4x128x16xf32, #tpu.memory_space<vmem>> -> memref<1x128x16xf32, #tpu.memory_space<vmem>>
        %dma_start3A_108 = tpu.memref_squeeze %dma_start3A_107 : memref<1x128x16xf32, #tpu.memory_space<vmem>> -> memref<128x16xf32, #tpu.memory_space<vmem>>
        %dma_start3A_109 = arith.constant 0 : i32
        %dma_start3A_110 = tpu.memref_slice %arg8[%add3A_104, %dma_start3A_109] : memref<40x128xi32, #tpu.memory_space<vmem>> -> memref<1x128xi32, #tpu.memory_space<vmem>>
        %dma_start3A_111 = tpu.memref_squeeze %dma_start3A_110 : memref<1x128xi32, #tpu.memory_space<vmem>> -> memref<128xi32, #tpu.memory_space<vmem>>
        %dma_start3A_112 = arith.constant 0 : i32
        %dma_start3A_113 = arith.constant 0 : i32
        %dma_start3A_114 = tpu.memref_slice %arg16[%dma_start3A_112, %dma_start3A_113] : memref<10000x16xf32, #tpu.memory_space<vmem_shared>> -> memref<10000x16xf32, #tpu.memory_space<vmem_shared>>
        tpu.enqueue_indirect_dma source(%dma_start3A_114 : memref<10000x16xf32, #tpu.memory_space<vmem_shared>>) target(%dma_start3A_108 : memref<128x16xf32, #tpu.memory_space<vmem>>) offsets(%dma_start3A_111 : memref<128xi32, #tpu.memory_space<vmem>>) semaphore(%arg17 : memref<!tpu.dma_semaphore, #tpu.memory_space<semaphore_mem>>)
      } else {
      }
      %add3A_89 = arith.constant 1 : i32
      %add3A_90 = arith.addi %mul3A_54, %add3A_89 : i32
      %dma_wait3A_91 = arith.constant 0 : i32
      %dma_wait3A_92 = arith.constant 0 : i32
      %dma_wait3A_93 = tpu.memref_slice %arg10[%rem3A_60, %dma_wait3A_91, %dma_wait3A_92] : memref<4x128x16xf32, #tpu.memory_space<vmem>> -> memref<1x128x16xf32, #tpu.memory_space<vmem>>
      %dma_wait3A_94 = tpu.memref_squeeze %dma_wait3A_93 : memref<1x128x16xf32, #tpu.memory_space<vmem>> -> memref<128x16xf32, #tpu.memory_space<vmem>>
      %dma_wait3A_95 = arith.constant 0 : i32
      %dma_wait3A_96 = tpu.memref_slice %arg8[%add3A_90, %dma_wait3A_95] : memref<40x128xi32, #tpu.memory_space<vmem>> -> memref<1x128xi32, #tpu.memory_space<vmem>>
      %dma_wait3A_97 = tpu.memref_squeeze %dma_wait3A_96 : memref<1x128xi32, #tpu.memory_space<vmem>> -> memref<128xi32, #tpu.memory_space<vmem>>
      %dma_wait3A_98 = arith.constant 0 : i32
      %dma_wait3A_99 = arith.constant 0 : i32
      %dma_wait3A_100 = tpu.memref_slice %arg16[%dma_wait3A_98, %dma_wait3A_99] : memref<10000x16xf32, #tpu.memory_space<vmem_shared>> -> memref<10000x16xf32, #tpu.memory_space<vmem_shared>>
      tpu.wait_indirect_dma semaphore(%arg18 : memref<!tpu.dma_semaphore, #tpu.memory_space<semaphore_mem>>) src(%dma_wait3A_100 : memref<10000x16xf32, #tpu.memory_space<vmem_shared>>) dst(%dma_wait3A_94 : memref<128x16xf32, #tpu.memory_space<vmem>>)
      %add3A_101 = arith.constant 1 : i32
      %add3A_102 = arith.addi %mul3A_54, %add3A_101 : i32
      "tpu.region"() ({
        %run_scoped3A_103 = tpu.sem_alloc : memref<!tpu.dma_semaphore, #tpu.memory_space<semaphore_mem>>
        %dma_start3A_104 = arith.constant 0 : i32
        %dma_start3A_105 = arith.constant 0 : i32
        %dma_start3A_106 = tpu.memref_slice %arg10[%rem3A_60, %dma_start3A_104, %dma_start3A_105] : memref<4x128x16xf32, #tpu.memory_space<vmem>> -> memref<1x128x16xf32, #tpu.memory_space<vmem>>
        %dma_start3A_107 = tpu.memref_squeeze %dma_start3A_106 : memref<1x128x16xf32, #tpu.memory_space<vmem>> -> memref<128x16xf32, #tpu.memory_space<vmem>>
        %dma_start3A_108 = arith.constant 0 : i32
        %dma_start3A_109 = tpu.memref_slice %arg9[%add3A_102, %dma_start3A_108] : memref<40x128xi32, #tpu.memory_space<vmem>> -> memref<1x128xi32, #tpu.memory_space<vmem>>
        %dma_start3A_110 = tpu.memref_squeeze %dma_start3A_109 : memref<1x128xi32, #tpu.memory_space<vmem>> -> memref<128xi32, #tpu.memory_space<vmem>>
        %dma_start3A_111 = arith.constant 0 : i32
        %dma_start3A_112 = arith.constant 0 : i32
        %dma_start3A_113 = tpu.memref_slice %arg15[%dma_start3A_111, %dma_start3A_112] : memref<10240x16xf32, #tpu.memory_space<vmem_shared>> -> memref<10240x16xf32, #tpu.memory_space<vmem_shared>>
        tpu.enqueue_indirect_dma source(%dma_start3A_107 : memref<128x16xf32, #tpu.memory_space<vmem>>) target(%dma_start3A_113 : memref<10240x16xf32, #tpu.memory_space<vmem_shared>>) offsets(%dma_start3A_110 : memref<128xi32, #tpu.memory_space<vmem>>) semaphore(%run_scoped3A_103 : memref<!tpu.dma_semaphore, #tpu.memory_space<semaphore_mem>>) {add = true}
        %dma_wait3A_114 = arith.constant 0 : i32
        %dma_wait3A_115 = arith.constant 0 : i32
        %dma_wait3A_116 = tpu.memref_slice %arg10[%rem3A_60, %dma_wait3A_114, %dma_wait3A_115] : memref<4x128x16xf32, #tpu.memory_space<vmem>> -> memref<1x128x16xf32, #tpu.memory_space<vmem>>
        %dma_wait3A_117 = tpu.memref_squeeze %dma_wait3A_116 : memref<1x128x16xf32, #tpu.memory_space<vmem>> -> memref<128x16xf32, #tpu.memory_space<vmem>>
        %dma_wait3A_118 = arith.constant 0 : i32
        %dma_wait3A_119 = tpu.memref_slice %arg9[%add3A_102, %dma_wait3A_118] : memref<40x128xi32, #tpu.memory_space<vmem>> -> memref<1x128xi32, #tpu.memory_space<vmem>>
        %dma_wait3A_120 = tpu.memref_squeeze %dma_wait3A_119 : memref<1x128xi32, #tpu.memory_space<vmem>> -> memref<128xi32, #tpu.memory_space<vmem>>
        %dma_wait3A_121 = arith.constant 0 : i32
        %dma_wait3A_122 = arith.constant 0 : i32
        %dma_wait3A_123 = tpu.memref_slice %arg15[%dma_wait3A_121, %dma_wait3A_122] : memref<10240x16xf32, #tpu.memory_space<vmem_shared>> -> memref<10240x16xf32, #tpu.memory_space<vmem_shared>>
        tpu.wait_indirect_dma semaphore(%run_scoped3A_103 : memref<!tpu.dma_semaphore, #tpu.memory_space<semaphore_mem>>) src(%dma_wait3A_117 : memref<128x16xf32, #tpu.memory_space<vmem>>) dst(%dma_wait3A_123 : memref<10240x16xf32, #tpu.memory_space<vmem_shared>>)
        tpu.yield
      }) : () -> ()
    }
    %scan3A_37 = arith.constant 20 : i32
    %barrier3A_38 = arith.constant 0 : index
    tpu.barrier barrier_id(%barrier3A_38)
    %mul3A_39 = arith.constant 640 : i32
    %mul3A_40 = arith.muli %arg1, %mul3A_39 : i32
    "tpu.region"() ({
      %run_scoped3A_52 = tpu.sem_alloc : memref<!tpu.dma_semaphore, #tpu.memory_space<semaphore_mem>>
      %dma_start3A_53 = arith.constant 0 : i32
      %dma_start3A_54 = tpu.memref_slice %arg15[%mul3A_40, %dma_start3A_53] : memref<10240x16xf32, #tpu.memory_space<vmem_shared>> -> memref<640x16xf32, #tpu.memory_space<vmem_shared>>
      %dma_start3A_55 = arith.constant 0 : i32
      %dma_start3A_56 = tpu.memref_slice %arg15[%mul3A_40, %dma_start3A_55] : memref<10240x16xf32, #tpu.memory_space<vmem_shared>> -> memref<640x16xf32, #tpu.memory_space<vmem_shared>>
      tpu.enqueue_dma source(%dma_start3A_56 : memref<640x16xf32, #tpu.memory_space<vmem_shared>>) target(%arg11 : memref<640x16xf32, #tpu.memory_space<vmem>>) target_semaphore(%run_scoped3A_52 : memref<!tpu.dma_semaphore, #tpu.memory_space<semaphore_mem>>)
      %dma_wait3A = arith.constant 0 : i32
      %dma_wait3A_57 = tpu.memref_slice %arg15[%mul3A_40, %dma_wait3A] : memref<10240x16xf32, #tpu.memory_space<vmem_shared>> -> memref<640x16xf32, #tpu.memory_space<vmem_shared>>
      %dma_wait3A_58 = arith.constant 0 : i32
      %dma_wait3A_59 = tpu.memref_slice %arg15[%mul3A_40, %dma_wait3A_58] : memref<10240x16xf32, #tpu.memory_space<vmem_shared>> -> memref<640x16xf32, #tpu.memory_space<vmem_shared>>
      tpu.wait_dma2 semaphore(%run_scoped3A_52 : memref<!tpu.dma_semaphore, #tpu.memory_space<semaphore_mem>>) src(%dma_wait3A_59 : memref<640x16xf32, #tpu.memory_space<vmem_shared>>) dst(%arg11 : memref<640x16xf32, #tpu.memory_space<vmem>>)
      tpu.yield
    }) : () -> ()
    %jit3A = arith.constant 2 : i32
    %eq3A = arith.constant 0 : i32
    %eq3A_41 = arith.cmpi eq, %jit3A, %eq3A : i32
    %jit3A_42 = arith.constant 1 : i32
    %select_n3A = arith.select %eq3A_41, %jit3A_42, %jit3A : i32
    %rem3A = arith.remsi %add3A, %select_n3A : i32
    %ne3A = arith.constant 0 : i32
    %ne3A_43 = arith.cmpi ne, %rem3A, %ne3A : i32
    %lt3A = arith.constant 0 : i32
    %lt3A_44 = arith.cmpi slt, %rem3A, %lt3A : i32
    %lt3A_45 = arith.constant 0 : i32
    %lt3A_46 = arith.cmpi slt, %select_n3A, %lt3A_45 : i32
    %ne3A_47 = arith.xori %lt3A_44, %lt3A_46 : i1
    %and3A = arith.andi %ne3A_47, %ne3A_43 : i1
    %add3A_48 = arith.addi %rem3A, %select_n3A : i32
    %select_n3A_49 = arith.select %and3A, %add3A_48, %rem3A : i32
    %mul3A_50 = arith.constant 640 : i32
    %mul3A_51 = arith.muli %arg1, %mul3A_50 : i32
    "tpu.region"() ({
      %run_scoped3A_52 = tpu.sem_alloc : memref<!tpu.dma_semaphore, #tpu.memory_space<semaphore_mem>>
      %dma_start3A_53 = arith.constant 0 : i32
      %dma_start3A_54 = tpu.memref_slice %arg7[%select_n3A_49, %mul3A_51, %dma_start3A_53] : memref<2x10240x16xf32, #tpu.memory_space<hbm>> -> memref<1x640x16xf32, #tpu.memory_space<hbm>>
      %dma_start3A_55 = tpu.memref_squeeze %dma_start3A_54 : memref<1x640x16xf32, #tpu.memory_space<hbm>> -> memref<640x16xf32, #tpu.memory_space<hbm>>
      %dma_start3A_56 = arith.constant 0 : i32
      %dma_start3A_57 = tpu.memref_slice %arg7[%select_n3A_49, %mul3A_51, %dma_start3A_56] : memref<2x10240x16xf32, #tpu.memory_space<hbm>> -> memref<1x640x16xf32, #tpu.memory_space<hbm>>
      %dma_start3A_58 = tpu.memref_squeeze %dma_start3A_57 : memref<1x640x16xf32, #tpu.memory_space<hbm>> -> memref<640x16xf32, #tpu.memory_space<hbm>>
      tpu.enqueue_dma source(%arg11 : memref<640x16xf32, #tpu.memory_space<vmem>>) target(%dma_start3A_58 : memref<640x16xf32, #tpu.memory_space<hbm>>) target_semaphore(%run_scoped3A_52 : memref<!tpu.dma_semaphore, #tpu.memory_space<semaphore_mem>>)
      %dma_wait3A = arith.constant 0 : i32
      %dma_wait3A_59 = tpu.memref_slice %arg7[%select_n3A_49, %mul3A_51, %dma_wait3A] : memref<2x10240x16xf32, #tpu.memory_space<hbm>> -> memref<1x640x16xf32, #tpu.memory_space<hbm>>
      %dma_wait3A_60 = tpu.memref_squeeze %dma_wait3A_59 : memref<1x640x16xf32, #tpu.memory_space<hbm>> -> memref<640x16xf32, #tpu.memory_space<hbm>>
      %dma_wait3A_61 = arith.constant 0 : i32
      %dma_wait3A_62 = tpu.memref_slice %arg7[%select_n3A_49, %mul3A_51, %dma_wait3A_61] : memref<2x10240x16xf32, #tpu.memory_space<hbm>> -> memref<1x640x16xf32, #tpu.memory_space<hbm>>
      %dma_wait3A_63 = tpu.memref_squeeze %dma_wait3A_62 : memref<1x640x16xf32, #tpu.memory_space<hbm>> -> memref<640x16xf32, #tpu.memory_space<hbm>>
      tpu.wait_dma2 semaphore(%run_scoped3A_52 : memref<!tpu.dma_semaphore, #tpu.memory_space<semaphore_mem>>) src(%arg11 : memref<640x16xf32, #tpu.memory_space<vmem>>) dst(%dma_wait3A_63 : memref<640x16xf32, #tpu.memory_space<hbm>>)
      tpu.yield
    }) : () -> ()
    return
  }
}

module attributes {stable_mosaic.version = 14 : i64} {
  func.func @_mm_body(%arg0: i32, %arg1: i32, %arg2: memref<1000x128xf32, #tpu.memory_space<vmem>>, %arg3: memref<128x128xf32, #tpu.memory_space<vmem>>, %arg4: memref<1000x128xf32, #tpu.memory_space<vmem>>) attributes {dimension_semantics = [#tpu.dimension_semantics<arbitrary>, #tpu.dimension_semantics<arbitrary>], iteration_bounds = array<i64: 10, 12>, scalar_prefetch = 0 : i64, scratch_operands = 0 : i64, tpu.core_type = #tpu.core_type<tc>, window_params = [{transform_indices = @transform_0, window_bounds = array<i64: 1000, 128>}, {transform_indices = @transform_1, window_bounds = array<i64: 128, 128>}, {transform_indices = @transform_2, window_bounds = array<i64: 1000, 128>}]} {
    %iota3A = tpu.iota {dimensions = array<i32: 1>} : vector<1x128xi32>
    %eq3A = arith.constant 11 : i32
    %eq3A_0 = arith.cmpi eq, %arg1, %eq3A : i32
    %jit3A = arith.constant 25 : i32
    %jit3A_1 = arith.constant 128 : i32
    %select_n3A = arith.select %eq3A_0, %jit3A, %jit3A_1 : i32
    %lt3A = vector.broadcast %select_n3A : i32 to vector<1x128xi32>
    %lt3A_2 = arith.cmpi slt, %iota3A, %lt3A : vector<1x128xi32>
    %get3A = arith.constant 0 : index
    %get3A_3 = arith.constant 0 : index
    %get3A_4 = vector.load %arg2[%get3A, %get3A_3] : memref<1000x128xf32, #tpu.memory_space<vmem>>, vector<1000x128xf32>
    %jit3A_5 = arith.constant 0.000000e+00 : f32
    %broadcast_in_dim3A = vector.shape_cast %lt3A_2 : vector<1x128xi1> to vector<1x128xi1>
    %broadcast_in_dim3A_6 = vector.broadcast %broadcast_in_dim3A : vector<1x128xi1> to vector<1000x128xi1>
    %broadcast_in_dim3A_7 = vector.broadcast %jit3A_5 : f32 to vector<1000x128xf32>
    %select_n3A_8 = arith.select %broadcast_in_dim3A_6, %get3A_4, %broadcast_in_dim3A_7 : vector<1000x128xi1>, vector<1000x128xf32>
    %get3A_9 = arith.constant 0 : index
    %get3A_10 = arith.constant 0 : index
    %get3A_11 = vector.load %arg3[%get3A_9, %get3A_10] : memref<128x128xf32, #tpu.memory_space<vmem>>, vector<128x128xf32>
    %dot_general3A = arith.constant dense<0.000000e+00> : vector<1000x128xf32>
    %dot_general3A_12 = tpu.matmul %select_n3A_8, %get3A_11, %dot_general3A {dimension_numbers = #tpu.dot_dimension_numbers<[1], [0], [0], [1], [0, 0, 1, 1], [], []>, transpose_lhs_hint = false} : vector<1000x128xf32>, vector<128x128xf32>, vector<1000x128xf32> -> vector<1000x128xf32>
    %eq3A_13 = arith.constant 0 : i32
    %eq3A_14 = arith.cmpi eq, %arg1, %eq3A_13 : i32
    %convert_element_type3A = arith.extui %eq3A_14 : i1 to i32
    %cond3A = arith.constant 0 : i32
    %cond3A_15 = arith.cmpi ne, %convert_element_type3A, %cond3A : i32
    scf.if %cond3A_15 {
      %swap3A = arith.constant 0 : index
      %swap3A_20 = arith.constant 0 : index
      %swap3A_21 = vector.load %arg4[%swap3A, %swap3A_20] : memref<1000x128xf32, #tpu.memory_space<vmem>>, vector<1000x128xf32>
      tpu.vector_store %arg4[%swap3A, %swap3A_20], %dot_general3A_12 {strides = array<i32>} : memref<1000x128xf32, #tpu.memory_space<vmem>>, vector<1000x128xf32>,
    } else {
    }
    %ne3A = arith.constant 0 : i32
    %ne3A_16 = arith.cmpi ne, %arg1, %ne3A : i32
    %convert_element_type3A_17 = arith.extui %ne3A_16 : i1 to i32
    %cond3A_18 = arith.constant 0 : i32
    %cond3A_19 = arith.cmpi ne, %convert_element_type3A_17, %cond3A_18 : i32
    scf.if %cond3A_19 {
      %get3A_20 = arith.constant 0 : index
      %get3A_21 = arith.constant 0 : index
      %get3A_22 = vector.load %arg4[%get3A_20, %get3A_21] : memref<1000x128xf32, #tpu.memory_space<vmem>>, vector<1000x128xf32>
      %add3A = arith.addf %get3A_22, %dot_general3A_12 : vector<1000x128xf32>
      %swap3A = arith.constant 0 : index
      %swap3A_23 = arith.constant 0 : index
      %swap3A_24 = vector.load %arg4[%swap3A, %swap3A_23] : memref<1000x128xf32, #tpu.memory_space<vmem>>, vector<1000x128xf32>
      tpu.vector_store %arg4[%swap3A, %swap3A_23], %add3A {strides = array<i32>} : memref<1000x128xf32, #tpu.memory_space<vmem>>, vector<1000x128xf32>,
    } else {
    }
    return
  }
  func.func @transform_0(%arg0: i32, %arg1: i32) -> (i32, i32) {
    %c0_i32 = arith.constant 0 : i32
    return %arg0, %arg1 : i32, i32
  }
  func.func @transform_1(%arg0: i32, %arg1: i32) -> (i32, i32) {
    %c0_i32 = arith.constant 0 : i32
    %c0_i32_0 = arith.constant 0 : i32
    return %arg1, %c0_i32 : i32, i32
  }
  func.func @transform_2(%arg0: i32, %arg1: i32) -> (i32, i32) {
    %c0_i32 = arith.constant 0 : i32
    %c0_i32_0 = arith.constant 0 : i32
    return %arg0, %c0_i32 : i32, i32
  }
}

module attributes {stable_mosaic.version = 14 : i64} {
  func.func @_final_body(%arg0: i32, %arg1: memref<2x128x128xf32, #tpu.memory_space<vmem>>, %arg2: memref<128x128xf32, #tpu.memory_space<vmem>>, %arg3: memref<1x128xf32, #tpu.memory_space<vmem>>, %arg4: memref<128x128xf32, #tpu.memory_space<vmem>>) attributes {dimension_semantics = [#tpu.dimension_semantics<arbitrary>], iteration_bounds = array<i64: 10>, scalar_prefetch = 0 : i64, scratch_operands = 0 : i64, tpu.core_type = #tpu.core_type<tc>, window_params = [{transform_indices = @transform_0, window_bounds = array<i64: 2, 128, 128>}, {pipeline_mode = #tpu.pipeline_mode<synchronous>, transform_indices = @transform_1, window_bounds = array<i64: 128, 128>}, {pipeline_mode = #tpu.pipeline_mode<synchronous>, transform_indices = @transform_2, window_bounds = array<i64: 1, 128>}, {transform_indices = @transform_3, window_bounds = array<i64: 128, 128>}]} {
    %get3A = arith.constant 0 : index
    %get3A_0 = arith.constant 0 : index
    %get3A_1 = arith.constant 0 : index
    %get3A_2 = vector.load %arg1[%get3A, %get3A_0, %get3A_1] : memref<2x128x128xf32, #tpu.memory_space<vmem>>, vector<1x128x128xf32>
    %get3A_3 = vector.shape_cast %get3A_2 : vector<1x128x128xf32> to vector<128x128xf32>
    %get3A_4 = arith.constant 1 : index
    %get3A_5 = arith.constant 0 : index
    %get3A_6 = arith.constant 0 : index
    %get3A_7 = vector.load %arg1[%get3A_4, %get3A_5, %get3A_6] : memref<2x128x128xf32, #tpu.memory_space<vmem>>, vector<1x128x128xf32>
    %get3A_8 = vector.shape_cast %get3A_7 : vector<1x128x128xf32> to vector<128x128xf32>
    %add3A = arith.addf %get3A_3, %get3A_8 : vector<128x128xf32>
    %get3A_9 = arith.constant 0 : index
    %get3A_10 = arith.constant 0 : index
    %get3A_11 = vector.load %arg2[%get3A_9, %get3A_10] : memref<128x128xf32, #tpu.memory_space<vmem>>, vector<128x128xf32>
    %dot_general3A = arith.constant dense<0.000000e+00> : vector<128x128xf32>
    %dot_general3A_12 = tpu.matmul %add3A, %get3A_11, %dot_general3A {dimension_numbers = #tpu.dot_dimension_numbers<[1], [0], [0], [1], [0, 0, 1, 1], [], []>, precision = #tpu.contract_precision<fp32>, transpose_lhs_hint = false} : vector<128x128xf32>, vector<128x128xf32>, vector<128x128xf32> -> vector<128x128xf32>
    %get3A_13 = arith.constant 0 : index
    %get3A_14 = arith.constant 0 : index
    %get3A_15 = vector.load %arg3[%get3A_13, %get3A_14] : memref<1x128xf32, #tpu.memory_space<vmem>>, vector<1x128xf32>
    %add3A_16 = vector.broadcast %get3A_15 : vector<1x128xf32> to vector<128x128xf32>
    %add3A_17 = arith.addf %dot_general3A_12, %add3A_16 : vector<128x128xf32>
    %swap3A = arith.constant 0 : index
    %swap3A_18 = arith.constant 0 : index
    %swap3A_19 = vector.load %arg4[%swap3A, %swap3A_18] : memref<128x128xf32, #tpu.memory_space<vmem>>, vector<128x128xf32>
    tpu.vector_store %arg4[%swap3A, %swap3A_18], %add3A_17 {strides = array<i32>} : memref<128x128xf32, #tpu.memory_space<vmem>>, vector<128x128xf32>,
    return
  }
  func.func @transform_0(%arg0: i32) -> (i32, i32, i32) {
    %c0_i32 = arith.constant 0 : i32
    %c0_i32_0 = arith.constant 0 : i32
    %c0_i32_1 = arith.constant 0 : i32
    return %c0_i32, %arg0, %c0_i32_0 : i32, i32, i32
  }
  func.func @transform_1(%arg0: i32) -> (i32, i32) {
    %c0_i32 = arith.constant 0 : i32
    %c0_i32_0 = arith.constant 0 : i32
    %c0_i32_1 = arith.constant 0 : i32
    return %c0_i32, %c0_i32_0 : i32, i32
  }
  func.func @transform_2(%arg0: i32) -> (i32, i32) {
    %c0_i32 = arith.constant 0 : i32
    %c0_i32_0 = arith.constant 0 : i32
    %c0_i32_1 = arith.constant 0 : i32
    return %c0_i32, %c0_i32_0 : i32, i32
  }
  func.func @transform_3(%arg0: i32) -> (i32, i32) {
    %c0_i32 = arith.constant 0 : i32
    %c0_i32_0 = arith.constant 0 : i32
    return %arg0, %c0_i32 : i32, i32
  }
}

</mosaic_0001>

<sc_bundles>
// kernel: kernel.6.cloned.1.call-start
scs
__scs_entry_jumppad:
0x0: {  	(pc) =	sbr.rel $0x88, $3  }
0x1: {  	(tag) =	ssettag $0x0;
	lr =	simm.s32 $0x1  }
0x2: {  	[smem:$0x3F9B] =	sst lr;
	_ =	strace $0xD0000000  }
0x3: {  	_ = 	snop  }
0x4: {  	_ = 	snop  }
0x5: {  	_ = 	snop  }
0x6: {  	_ = 	snop  }
0x7: {  	_ = 	snop  }
__scs_overlays_trampoline_lowered:
0x8: {  	[smem:$0x3FAA] =	sst s0  }
0x9: {  	[smem:$0x3FAB] =	sst s1  }
0xa: {  	[smem:$0x3FAC] =	sst s2  }
0xb: {  	[smem:$0x3FAD] =	sst s3  }
0xc: {  	[smem:$0x3FAE] =	sst s4  }
0xd: {  	[smem:$0x3FAF] =	sst s5  }
0xe: {  	[smem:$0x3FB0] =	sst s6  }
0xf: {  	[smem:$0x3FB1] =	sst s7  }
0x10: {  	[smem:$0x3FB2] =	sst s8  }
0x11: {  	[smem:$0x3FB3] =	sst s9;
	s0 =	simm.s32 @!p0 $0x0  }
0x12: {  	s1 =	sld [smem:$0x3F99];
	s0 =	simm.s32 @p0 $0x1  }
0x13: {  	[smem:$0x3FB4] =	sst s0;
	s0 =	simm.s32 @!p1 $0x0  }
0x14: {  	s2 =	sld [smem:$0x3F98];
	s0 =	simm.s32 @p1 $0x1  }
0x15: {  	[smem:$0x3FB5] =	sst s0;
	s0 =	simm.s32 @!p2 $0x0  }
0x16: {  	s3 =	sld [smem:$0x3FDB];
	s0 =	simm.s32 @p2 $0x1  }
0x17: {  	s4 =	simm.s32 $0x1BF5;
	[smem:$0x3FB7] =	sst s0  }
0x18: {  	s0 =	sld [smem:$0x3F9A];
	_ =	swait.ge [sflag:s4], $0x0  }
0x19: {  	s7 =	sld [smem:$0x3F9B]  }
0x1a: {  	s8 =	sadd.s32 $0xFFFFE003, lr  }
0x1b: {  	s9 =	sadd.s32 $0xFFFFFEF7, lr;
	s5 =	simm.s32 $0xFFFFFFFF;
	p2 =	slt.u32 s8, $0xFFFFF086  }
0x1c: {  	p1 =	slt.u32 s9, $0xF7A;
	s5 =	simm.s32 @!p2 $0x0  }
0x1d: {  	s5 =	simm.s32 @p1 $0x1;
	p0 =	seq.s32 s7, s2  }
0x1e: {  	s7 =	smul.u32 @!p0 $0xF7A, s2;
	p2 =	seq.s32 @!p0 s5, $0x0  }
0x1f: {  	s9 =	smul.u32 $0xF7A, s1;
	s8 =	simm.s32 @!p0 $0x1BF5;
	p2 =	por !p2, p0  }
0x20: {  	[sflag:s8] =	ssyncset.s32 @!p0 $0xFFFFF086;
	s6 =	sadd.s32 @!p0 s3, s7;
	s7 =	simm.s32 @!p0 $0x108  }
0x21: {  	s3 =	sadd.s32 s3, s9;
	s6 =	sadd.s32 @!p0 $0x88, s6;
	s7 =	simm.s32 @p2 $0x1082  }
0x22: {  	[simem:s7], [sflag:s8] =	dma.local @!p0 [hbm:s6], $0xF7A  }
0x23: {  	s9 =	sor.u32 $0xD0000000, s2;
	s6 =	simm.s32 $0x108;
	_ =	swait.ge @!p0 [sflag:s8], $0x0  }
0x24: {  	s3 =	sadd.s32 $0x88, s3;
	s6 =	simm.s32 @!p1 $0x1082;
	[sflag:s4] =	ssyncset.s32 $0xFFFFF086  }
0x25: {  	[simem:s6], [sflag:s4] =	dma.local [hbm:s3], $0xF7A  }
0x26: {  	[smem:$0x3F9B] =	sst s1;
	(tag) =	ssettag s2;
	_ =	strace s9  }
0x27: {  	s1 =	sld [smem:$0x3FAB]  }
0x28: {  	s2 =	sld [smem:$0x3FAC]  }
0x29: {  	s4 =	sld [smem:$0x3FAE]  }
0x2a: {  	p0 =	seq.s32 s5, $0x0;
	s5 =	sld [smem:$0x3FAF]  }
0x2b: {  	s6 =	sld [smem:$0x3FB0]  }
0x2c: {  	s7 =	sld [smem:$0x3FB1]  }
0x2d: {  	s3 =	simm.s32 $0x108;
	s8 =	sld [smem:$0x3FB2]  }
0x2e: {  	s3 =	simm.s32 @!p0 $0x1082;
	s9 =	sld [smem:$0x3FB3]  }
0x2f: {  	lr =	sadd.s32 s0, s3;
	s0 =	sld [smem:$0x3FAA]  }
0x30: {  	s3 =	sld [smem:$0x3FAD]  }
0x31: {  	[smem:$0x3FB6] =	sst s10  }
0x32: {  	s10 =	sld [smem:$0x3FB4];
	_ =	sdelay $0x3  }
0x33: {  	p0 =	seq.s32 s10, $0x1;
	s10 =	sld [smem:$0x3FB6];
	_ =	sdelay $0x3  }
0x34: {  	[smem:$0x3FB6] =	sst s10  }
0x35: {  	s10 =	sld [smem:$0x3FB5];
	_ =	sdelay $0x3  }
0x36: {  	p1 =	seq.s32 s10, $0x1;
	s10 =	sld [smem:$0x3FB6];
	_ =	sdelay $0x3  }
0x37: {  	[smem:$0x3FB6] =	sst s10  }
0x38: {  	s10 =	sld [smem:$0x3FB7]  }
0x39: {  	_ = 	snop;
	(pc) =	sbr.ind lr, $3  }
0x3a: {  	_ = 	snop  }
0x3b: {  	_ = 	snop  }
0x3c: {  	p2 =	seq.s32 s10, $0x1;
	s10 =	sld [smem:$0x3FB6]  }
0x3d: {  	_ =	shalt  }
0x3e: {  	_ =	shalt  }
0x3f: {  	_ =	shalt  }
0x40: {  	_ =	shalt  }
0x41: {  	_ =	shalt  }
0x42: {  	_ =	shalt  }
0x43: {  	_ =	shalt  }
0x44: {  	_ =	shalt  }
0x45: {  	_ =	shalt  }
0x46: {  	_ =	shalt  }
0x47: {  	_ =	shalt  }
0x48: {  	_ =	shalt  }
0x49: {  	_ =	shalt  }
0x4a: {  	_ =	shalt  }
0x4b: {  	_ =	shalt  }
0x4c: {  	_ =	shalt  }
0x4d: {  	_ =	shalt  }
0x4e: {  	_ =	shalt  }
0x4f: {  	_ =	shalt  }
0x50: {  	_ =	shalt  }
0x51: {  	_ =	shalt  }
0x52: {  	_ =	shalt  }
0x53: {  	_ =	shalt  }
0x54: {  	_ =	shalt  }
0x55: {  	_ =	shalt  }
0x56: {  	_ =	shalt  }
0x57: {  	_ =	shalt  }
0x58: {  	_ =	shalt  }
0x59: {  	_ =	shalt  }
0x5a: {  	_ =	shalt  }
0x5b: {  	_ =	shalt  }
0x5c: {  	_ =	shalt  }
0x5d: {  	_ =	shalt  }
0x5e: {  	_ =	shalt  }
0x5f: {  	_ =	shalt  }
0x60: {  	_ =	shalt  }
0x61: {  	_ =	shalt  }
0x62: {  	_ =	shalt  }
0x63: {  	_ =	shalt  }
0x64: {  	_ =	shalt  }
0x65: {  	_ =	shalt  }
0x66: {  	_ =	shalt  }
0x67: {  	_ =	shalt  }
0x68: {  	_ =	shalt  }
0x69: {  	_ =	shalt  }
0x6a: {  	_ =	shalt  }
0x6b: {  	_ =	shalt  }
0x6c: {  	_ =	shalt  }
0x6d: {  	_ =	shalt  }
0x6e: {  	_ =	shalt  }
0x6f: {  	_ =	shalt  }
0x70: {  	_ =	shalt  }
0x71: {  	_ =	shalt  }
0x72: {  	_ =	shalt  }
0x73: {  	_ =	shalt  }
0x74: {  	_ =	shalt  }
0x75: {  	_ =	shalt  }
0x76: {  	_ =	shalt  }
0x77: {  	_ =	shalt  }
0x78: {  	_ =	shalt  }
0x79: {  	_ =	shalt  }
0x7a: {  	_ =	shalt  }
0x7b: {  	_ =	shalt  }
0x7c: {  	_ =	shalt  }
0x7d: {  	_ =	shalt  }
0x7e: {  	_ =	shalt  }
0x7f: {  	_ =	shalt  }
0x80: {  	_ =	shalt  }
0x81: {  	_ =	shalt  }
0x82: {  	_ =	shalt  }
0x83: {  	_ =	shalt  }
0x84: {  	_ =	shalt  }
0x85: {  	_ =	shalt  }
0x86: {  	_ =	shalt  }
0x87: {  	_ =	shalt  }
.Lfunc_end0:
.L_simem_size_0:
called_computation_lowered:
.L_overlay_start_0:
0x88: {  	s2 =	sld [smem:$0x3FD9]  }
0x89: {  	s3 =	sld [smem:$0x3FFE];
	_ =	sdelay $0x1  }
0x8a: {  	s1 =	srdreg.scid  }
0x8b: {  	s0 =	sand.u32 $0x1, s1  }
0x8c: {  	s17 =	sshll.u32 s0, $0xA;
	s2 =	sadd.s32 s3, s2  }
0x8d: {  	s2 =	sadd.s32 s2, s17  }
0x8e: {  	[smem:$0x3FC2] =	sst s2  }
0x8f: {  	_ = 	snop  }
0x90: {  	s2 =	sld [smem:$0x3FD0];
	(tm) =	ssettm $0x1  }
0x91: {  	s18 =	sld [smem:$0x3FFB];
	_ =	sdelay $0x3  }
0x92: {  	_ =	strace s18  }
0x93: {  	s3 =	sld [smem:$0x3FFC];
	_ =	sdelay $0x3  }
0x94: {  	_ =	strace s3  }
0x95: {  	s3 =	sld [smem:$0x3FFD];
	_ =	sdelay $0x3  }
0x96: {  	_ =	strace s3  }
0x97: {  	_ =	strace $0x8FFFFFFF  }
0x98: {  	s19 =	sld [smem:$0x3FDB];
	_ =	sdelay $0x1  }
0x99: {  	s4 =	simm.s32 $_scs_section_size  }
0x9a: {  	s5 =	simm.s32 $_size__tile_overlayer_lowered;
	s6 =	simm.s32 $_tile_overlayer_lowered  }
0x9b: {  	s22 =	simm.s32 $0x1BFF;
	s21 =	sshll.u32 s6, $0x1;
	s3 =	sadd.s32 s4, s19  }
0x9c: {  	s7 =	simm.s32 $0x0;
	s20 =	sshll.u32 s5, $0x1;
	s5 =	sadd.s32 s21, s3  }
0x9d: {  	[timem:s7], [sflag:s22] =	dma.local [hbm:s5], s20  }
0x9e: {  	_ =	swait.ge [sflag:s22], s20  }
0x9f: {  	s4 =	ssub.s32 $0x0, s20;
	[sflag:s22] =	ssyncset.done $0x0  }
0xa0: {  	[sflag:s22] =	ssyncadd.s32 s4;
	_ =	sdelay $0x1  }
0xa1: {  	s23 =	simm.s32 $0x1B8B  }
0xa2: {  	_ =	swait.ge [sflag:s23], $0x1  }
0xa3: {  	[sflag:s23] =	ssyncset.done $0x0  }
0xa4: {  	s25 =	simm.s32 $0x1B8E;
	s24 =	sld [smem:$0x3FFE];
	[sflag:s23] =	ssyncadd.s32 $0xFFFFFFFF  }
0xa5: {  	s26 =	simm.s32 $execute0_lowered;
	[smem:$0x3FD2] =	sst s25  }
0xa6: {  	s5 =	sshll.u32 s26, $0x1;
	_ =	strace $0x80000046;
	[dreg:$0x1] =	wrdreg $0xFFFFFFFF  }
0xa7: {  	s28 =	simm.s32 $_size_execute0_lowered;
	s3 =	sadd.s32 s3, s5;
	[dreg:$0x0] =	wrdreg $0x0  }
0xa8: {  	s5 =	sshll.u32 s28, $0x1;
	[dreg:$0x2] =	wrdreg s3  }
0xa9: {  	[dreg:$0x3] =	wrdreg s5  }
0xaa: {  	[dreg:$0x4] =	wrdreg $0xC0  }
0xab: {  	_ =	task [dreg:s7], $0x5FFFF  }
0xac: {  	[dreg:$0x1] =	wrdreg $0xFFFFFFFF  }
0xad: {  	[dreg:$0x0] =	wrdreg $0x60  }
0xae: {  	[dreg:$0x2] =	wrdreg s24  }
0xaf: {  	[dreg:$0x3] =	wrdreg s2  }
0xb0: {  	[dreg:$0x4] =	wrdreg $0x70000  }
0xb1: {  	[dreg:$0x5] =	wrdreg $0x98000  }
0xb2: {  	[dreg:$0x6] =	wrdreg $0x9  }
0xb3: {  	_ =	task.clear_ibuf [dreg:s7], $0x7FFFF;
	_ =	strace $0x90000046  }
0xb4: {  	s29 =	simm.s32 $0x9;
	_ =	strace $0x80000048  }
0xb5: {  	_ =	swait.ge [sflag:s29], $0x1  }
0xb6: {  	[sflag:s29] =	ssyncadd.s32 $0xFFFFFFFF  }
0xb7: {  	_ =	strace $0x90000048  }
0xb8: {  	_ =	sfence  }
0xb9: {  	s30 =	sld [smem:$0x0];
	_ =	sdelay $0x2  }
0xba: {  	s31 =	sshll.u32 s1, $0xD;
	s1 =	sshrl.u32 s1, $0x2  }
0xbb: {  	s3 =	sand.u32 $0x4000, s31;
	s1 =	sadd.s32 s1, s30  }
0xbc: {  	s0 =	sor.u32 s3, s0;
	s1 =	sshll.u32 s1, $0x11  }
0xbd: {  	s0 =	sor.u32 s1, s0  }
0xbe: {  	s0 =	sadd.s32 $0x8F2B, s0  }
0xbf: {  	[sflag:s0] =	ssyncadd.remote.s32 $0x1  }
0xc0: {  	_ =	sfence.sel $0xFFFF  }
0xc1: {  	[dreg:$0x0] =	wrdreg $0xFFFFFFFF;
	(pc) =	sbr.abs _section_cstart, $3  }
0xc2: {  	[dreg:$0x1] =	wrdreg $0xFFFFFFFF  }
0xc3: {  	_ =	task.clear_ibuf [dreg:s7], $0x2FFFF;
	_ =	strace $0x9FFFFFFF  }
0xc4: {  	(tm) =	ssettm $0x7FFFFFFF  }
0xc5: {  	_ =	shalt  }
tec
execute0_lowered:
.L_overlay_start_1:
0x0: {  	(tag) =	ssettag $0x1  }
0x1: {  	s0 =	rddreg [dreg:$0x0]  }
0x2: {  	s3 =	rddreg [dreg:$0x2]  }
0x3: {  	s4 =	rddreg [dreg:$0x3];
	s5 =	simm.s32 $0x0  }
0x4: {  	s1 =	stileid.u32;
	s2 =	srdreg.scid;
	s9 =	simm.s32 $0x28000  }
0x5: {  	s12 =	simm.s32 $0x4800;
	s13 =	simm.s32 $0x3;
	s16 =	simm.s32 $0x1  }
0x6: {  	s17 =	simm.s32 $0x2;
	s20 =	simm.s32 $0x80;
	s21 =	simm.s32 $0x2800  }
0x7: {  	s22 =	simm.s32 $0x1380;
	s23 =	simm.s32 $0x4000;
	s24 =	simm.s32 $0x2700  }
0x8: {  	s25 =	simm.s32 $0x3800;
	s28 =	simm.s32 $0x0;
	s7 =	smul.u32 $0x2710, s1  }
0x9: {  	[smem:$0x7FF] =	sst s5;
	s2 =	sand.u32 $0x1, s2;
	s8 =	smul.u32 $0x2800, s1  }
0xa: {  	s6 =	sshll.u32 s1, $0x1;
	s10 =	smul.u32 $0x9C40, s1;
	s31 =	sshll.u32 s1, $0x6  }
0xb: {  	_ =	strace $0x80000047;
	s6 =	sor.u32 s2, s6;
	p0 =	seq.s32 s2, $0x1  }
0xc: {  	s2 =	ssub.s32 $0x2, s2;
	s14 =	sor.u32 $0x1C03, s31;
	s7 =	sadd.s32 s7, s0  }
0xd: {  	s6 =	smul.u32 $0x280, s6;
	s9 =	simm.s32 @!p0 $0x0;
	s29 =	sshrl.u32 s2, $0x1  }
0xe: {  	s30 =	sshrl.u32 s10, $0x2;
	s9 =	sadd.s32 s8, s9;
	s2 =	ssub.s32 s2, s29  }
0xf: {  	s15 =	sadd.s32 s30, s4;
	s7 =	sadd.s32 $0xC00, s7;
	s11 =	sadd.s32 s6, s0  }
0x10: {  	s26 =	sshrl.u32 s9, $0x3;
	s6 =	sadd.s32 s8, s3;
	s15 =	sshrl.u32 s15, $0x3  }
0x11: {  	s0 =	sadd.s32 s26, s0;
	s8 =	sadd.s32 $0x27E00, s11;
	s9 =	sadd.s32 $0x2CE00, s11  }
0x12: {  	s11 =	smax.u32 s2, $0x1;
	s26 =	simm.s32 $0x2780;
	s10 =	sadd.s32 $0x31E00, s0  }
.LBB2_1:
0x13: {  	s0 =	rddreg [dreg:$0x1]  }
0x14: {  	[tilespmem:s12], [sflag:$0x3] =	stream.linear.gather [hbm4b:s0+s5], $0x2800, $0x38;
	[tilespmem:$0xBF10] =	vst v63  }
0x15: {  	_ =	swait.ge [sflag:s13], $0x2800  }
0x16: {  	[sflag:s13] =	ssyncset.done $0x0  }
0x17: {  	[sflag:s13] =	ssyncadd.s32 $0xFFFFD800  }
0x18: {  	[spmem:s6] =	stream.linear.scatter [tilespmem:s12], [sflag:$0x3], $0x2800, $0x38;
	[tilespmem:$0xBF10] =	vst v63  }
0x19: {  	_ =	swait.ge [sflag:s13], $0x2800  }
0x1a: {  	[sflag:s13] =	ssyncset.done $0x0  }
0x1b: {  	s31 =	simm.s32 $0x10;
	[sflag:s13] =	ssyncadd.s32 $0xFFFFD800  }
0x1c: {  	[spmem:s15@s17], [sflag:s14] =	dma.strided [hbm:s7@s31], $0x4E2, s16, $0x2   }
0x1d: {  	_ =	swait.ge [sflag:s13], $0x4E2  }
0x1e: {  	[sflag:s13] =	ssyncset.done $0x0  }
0x1f: {  	[sflag:s13] =	ssyncadd.s32 $0xFFFFFB1E  }
0x20: {  	[tilespmem:s5], [sflag:$0x3] =	stream.linear.gather [hbm4b:s8+s5], $0x1400, $0x38;
	[tilespmem:$0xBF10] =	vst v63  }
0x21: {  	_ =	swait.ge [sflag:s13], $0x1400  }
0x22: {  	[sflag:s13] =	ssyncset.done $0x0  }
0x23: {  	s1 =	simm.s32 $0x1400;
	[sflag:s13] =	ssyncadd.s32 $0xFFFFEC00  }
0x24: {  	[tilespmem:s1], [sflag:$0x3] =	stream.linear.gather [hbm4b:s9+s5], $0x1400, $0x38;
	[tilespmem:$0xBF10] =	vst v63  }
0x25: {  	_ =	swait.ge [sflag:s13], $0x1400  }
0x26: {  	s2 =	simm.s32 $0x2000;
	[sflag:s13] =	ssyncset.done $0x0  }
0x27: {  	s0 =	sand.u32 $0x6000, s2;
	[sflag:s13] =	ssyncadd.s32 $0xFFFFEC00  }
0x28: {  	s0 =	sshrl.u32 s0, $0x2;
	[bflag:$0x0] =	sbarrier.arrive $0xFFFF  }
0x29: {  	[tilespmem:s21], [sflag:$0x1] =	stream.indirect.gather [spmem:s4], $0x10, s5, s20, $0xb8;
	[tilespmem:$0xBF10] =	vst v63  }
0x2a: {  	s2 =	simm.s32 $0x80;
	s0 =	sadd.s32 $0x2800, s0  }
0x2b: {  	[tilespmem:s0], [sflag:$0x2] =	stream.indirect.gather [spmem:s4], $0x10, s2, s20, $0xb8;
	[tilespmem:$0xBF10] =	vst v63  }
0x2c: {  	s18 =	sand.u32 $0x4000, s5;
	_ =	swait.ge [sflag:s16], $0x800  }
0x2d: {  	s29 =	simm.s32 $0x4000;
	s2 =	sshrl.u32 s18, $0x2;
	[sflag:s16] =	ssyncset.done $0x0  }
0x2e: {  	s30 =	simm.s32 $0x1400;
	s2 =	sor.u32 $0x2800, s2;
	[sflag:s16] =	ssyncadd.s32 $0xFFFFF800  }
0x2f: {  	[spmem:s3] =	stream.indirect.scatter.add.f32 [tilespmem:s2], [sflag:$0x3], $0x10, s30, s20, $0xb8;
	[tilespmem:$0xBF10] =	vst v63  }
0x30: {  	s19 =	sand.u32 $0x4000, s29;
	_ =	swait.ge [sflag:s13], $0x800  }
0x31: {  	s2 =	sshrl.u32 s19, $0x2;
	[sflag:s13] =	ssyncset.done $0x0  }
0x32: {  	s30 =	simm.s32 $0x100;
	s2 =	sor.u32 $0x2800, s2;
	[sflag:s13] =	ssyncadd.s32 $0xFFFFF800  }
0x33: {  	[tilespmem:s2], [sflag:$0x1] =	stream.indirect.gather [spmem:s4], $0x10, s30, s20, $0xb8;
	[tilespmem:$0xBF10] =	vst v63  }
0x34: {  	_ =	swait.ge [sflag:s17], $0x800  }
0x35: {  	s31 =	simm.s32 $0x6000;
	[sflag:s17] =	ssyncset.done $0x0  }
0x36: {  	s30 =	simm.s32 $0x1480;
	s2 =	sand.u32 $0x6000, s31;
	[sflag:s17] =	ssyncadd.s32 $0xFFFFF800  }
0x37: {  	[spmem:s3] =	stream.indirect.scatter.add.f32 [tilespmem:s0], [sflag:$0x3], $0x10, s30, s20, $0xb8;
	[tilespmem:$0xBF10] =	vst v63  }
0x38: {  	s2 =	sshrl.u32 s2, $0x2;
	_ =	swait.ge [sflag:s13], $0x800  }
0x39: {  	s0 =	simm.s32 $0x800;
	s30 =	simm.s32 $0x100;
	[sflag:s13] =	ssyncset.done $0x0  }
.LBB2_2:
0x3a: {  	s2 =	sadd.s32 $0x2800, s2  }
0x3b: {  	s31 =	sadd.s32 $0x80, s30;
	[sflag:s13] =	ssyncadd.s32 $0xFFFFF800;
	s1 =	smov.u32 s0  }
0x3c: {  	[tilespmem:s2], [sflag:$0x2] =	stream.indirect.gather [spmem:s4], $0x10, s31, s20, $0xb8;
	[tilespmem:$0xBF10] =	vst v63  }
0x3d: {  	s18 =	sadd.s32 $0x400, s0;
	s31 =	sand.u32 $0x4000, s29;
	_ =	swait.ge [sflag:s16], $0x800  }
0x3e: {  	s29 =	sadd.s32 $0x4000, s29;
	s31 =	sshrl.u32 s31, $0x2;
	[sflag:s16] =	ssyncset.done $0x0  }
0x3f: {  	s19 =	sadd.s32 $0x1400, s30;
	s31 =	sor.u32 $0x2800, s31;
	[sflag:s16] =	ssyncadd.s32 $0xFFFFF800  }
0x40: {  	[spmem:s3] =	stream.indirect.scatter.add.f32 [tilespmem:s31], [sflag:$0x3], $0x10, s19, s20, $0xb8;
	[tilespmem:$0xBF10] =	vst v63  }
0x41: {  	p0 =	sne.s32 s0, $0x4800;
	s0 =	sand.u32 $0x4000, s29;
	_ =	swait.ge [sflag:s13], $0x800  }
0x42: {  	s0 =	sshrl.u32 s0, $0x2;
	[sflag:s13] =	ssyncset.done $0x0  }
0x43: {  	s31 =	sor.u32 $0x2800, s0;
	s0 =	sadd.s32 $0x100, s30;
	[sflag:s13] =	ssyncadd.s32 $0xFFFFF800  }
0x44: {  	[tilespmem:s31], [sflag:$0x1] =	stream.indirect.gather [spmem:s4], $0x10, s0, s20, $0xb8;
	[tilespmem:$0xBF10] =	vst v63  }
0x45: {  	_ =	swait.ge [sflag:s17], $0x800  }
.Ltmp0:
0x46: {  	[sflag:s17] =	ssyncset.done $0x0;
	(pc) =	sbr.rel @p0 .LBB2_2-.Ltmp0, $4  }
0x47: {  	s19 =	sadd.s32 $0x1480, s30;
	s0 =	sadd.s32 $0x2000, s29;
	[sflag:s17] =	ssyncadd.s32 $0xFFFFF800  }
0x48: {  	[spmem:s3] =	stream.indirect.scatter.add.f32 [tilespmem:s2], [sflag:$0x3], $0x10, s19, s20, $0xb8;
	[tilespmem:$0xBF10] =	vst v63  }
0x49: {  	s30 =	sshra.s32 s1, $0x2;
	s0 =	sand.u32 $0x6000, s0;
	_ =	swait.ge [sflag:s13], $0x800  }
0x4a: {  	s2 =	sshrl.u32 s0, $0x2;
	s0 =	smov.u32 s18;
	[sflag:s13] =	ssyncset.done $0x0  }
0x4b: {  	s0 =	sadd.s32 $0x2800, s2;
	s1 =	sadd.s32 $0x80, s30;
	[sflag:s13] =	ssyncadd.s32 $0xFFFFF800  }
0x4c: {  	[tilespmem:s0], [sflag:$0x2] =	stream.indirect.gather [spmem:s4], $0x10, s1, s20, $0xb8;
	[tilespmem:$0xBF10] =	vst v63  }
0x4d: {  	_ =	swait.ge [sflag:s16], $0x800  }
0x4e: {  	[sflag:s16] =	ssyncset.done $0x0  }
0x4f: {  	s18 =	sadd.s32 $0x4000, s29;
	s19 =	sadd.s32 $0x1400, s30;
	[sflag:s16] =	ssyncadd.s32 $0xFFFFF800  }
0x50: {  	[spmem:s3] =	stream.indirect.scatter.add.f32 [tilespmem:s31], [sflag:$0x3], $0x10, s19, s20, $0xb8;
	[tilespmem:$0xBF10] =	vst v63  }
0x51: {  	s1 =	sand.u32 $0x4000, s18;
	_ =	swait.ge [sflag:s13], $0x800  }
0x52: {  	s1 =	sshrl.u32 s1, $0x2;
	[sflag:s13] =	ssyncset.done $0x0  }
0x53: {  	s29 =	sadd.s32 $0x100, s30;
	s1 =	sor.u32 $0x2800, s1;
	[sflag:s13] =	ssyncadd.s32 $0xFFFFF800  }
0x54: {  	[tilespmem:s1], [sflag:$0x1] =	stream.indirect.gather [spmem:s4], $0x10, s29, s20, $0xb8;
	[tilespmem:$0xBF10] =	vst v63  }
0x55: {  	_ =	swait.ge [sflag:s17], $0x800  }
0x56: {  	[sflag:s17] =	ssyncset.done $0x0  }
0x57: {  	s31 =	sadd.s32 $0x1480, s30;
	[sflag:s17] =	ssyncadd.s32 $0xFFFFF800  }
0x58: {  	[spmem:s3] =	stream.indirect.scatter.add.f32 [tilespmem:s0], [sflag:$0x3], $0x10, s31, s20, $0xb8;
	[tilespmem:$0xBF10] =	vst v63  }
0x59: {  	_ =	swait.ge [sflag:s13], $0x800  }
0x5a: {  	[sflag:s13] =	ssyncset.done $0x0  }
0x5b: {  	[sflag:s13] =	ssyncadd.s32 $0xFFFFF800  }
0x5c: {  	[tilespmem:s23], [sflag:$0x2] =	stream.indirect.gather [spmem:s4], $0x10, s22, s20, $0xb8;
	[tilespmem:$0xBF10] =	vst v63  }
0x5d: {  	_ =	swait.ge [sflag:s16], $0x800  }
0x5e: {  	[sflag:s16] =	ssyncset.done $0x0  }
0x5f: {  	[sflag:s16] =	ssyncadd.s32 $0xFFFFF800  }
0x60: {  	[spmem:s3] =	stream.indirect.scatter.add.f32 [tilespmem:s25], [sflag:$0x3], $0x10, s24, s20, $0xb8;
	[tilespmem:$0xBF10] =	vst v63  }
0x61: {  	_ =	swait.ge [sflag:s13], $0x800  }
0x62: {  	[sflag:s13] =	ssyncset.done $0x0  }
0x63: {  	[sflag:s13] =	ssyncadd.s32 $0xFFFFF800  }
0x64: {  	_ =	swait.ge [sflag:s17], $0x800  }
0x65: {  	[sflag:s17] =	ssyncset.done $0x0  }
0x66: {  	[sflag:s17] =	ssyncadd.s32 $0xFFFFF800  }
0x67: {  	[spmem:s3] =	stream.indirect.scatter.add.f32 [tilespmem:s23], [sflag:$0x3], $0x10, s26, s20, $0xb8;
	[tilespmem:$0xBF10] =	vst v63  }
0x68: {  	_ =	swait.ge [sflag:s13], $0x800  }
0x69: {  	[sflag:s13] =	ssyncset.done $0x0  }
0x6a: {  	[sflag:s13] =	ssyncadd.s32 $0xFFFFF800  }
0x6b: {  	[bflag:$0x0] =	sbarrier.arrive $0xFFFF  }
0x6c: {  	[tilespmem:s12], [sflag:$0x3] =	stream.linear.gather [spmem:s6], $0x2800, $0x38;
	[tilespmem:$0xBF10] =	vst v63  }
0x6d: {  	s28 =	sadd.s32 $0x1, s28;
	_ =	swait.ge [sflag:s13], $0x2800  }
0x6e: {  	p0 =	sne.s32 s28, s11;
	[sflag:s13] =	ssyncset.done $0x0  }
.Ltmp1:
0x6f: {  	[sflag:s13] =	ssyncadd.s32 $0xFFFFD800;
	(pc) =	sbr.rel @p0 .LBB2_1-.Ltmp1, $4  }
0x70: {  	[hbm4b:s10+s5] =	stream.linear.scatter [tilespmem:s12], [sflag:$0x3], $0x2800, $0x38;
	[tilespmem:$0xBF10] =	vst v63  }
0x71: {  	_ =	swait.ge [sflag:s13], $0x2800  }
0x72: {  	[sflag:s13] =	ssyncset.done $0x0  }
0x73: {  	[sflag:s13] =	ssyncadd.s32 $0xFFFFD800  }
0x74: {  	_ =	sfence.sel $0x180000  }
0x75: {  	[bflag:$0x0] =	sbarrier.arrive $0xFFFF  }
0x76: {  	_ =	strace $0x90000047  }
0x77: {  	s0 =	stileid.u32;
	[bflag:$0x2] =	sbarrier.arrive $0xFFFF  }
0x78: {  	p0 =	sne.s32 s0, $0x0;
	s0 =	rddreg [dreg:$0x4]  }
0x79: {  	s0 =	sadd.s32 @!p0 $0x100000, s0  }
0x7a: {  	[sflag:s0] =	ssyncadd.tile.s32 @!p0 $0x1;
	_ =	shalt  }
.Lfunc_end2:
_tile_overlayer_lowered:
.L_overlay_start_2:
0x7b: {  	(tag) =	ssettag $0x2  }
0x7c: {  	s0 =	rddreg [dreg:$0x0];
	s2 =	stileid.u32  }
0x7d: {  	s1 =	rddreg [dreg:$0x1];
	p0 =	sne.s32 s2, $0x0  }
0x7e: {  	s3 =	rddreg [dreg:$0x2];
	[bflag:$0x3] =	sbarrier.arrive $0xFFFF;
	s2 =	simm.s32 @!p0 $0x1C03  }
0x7f: {  	[timem:s3], [sflag:s2] =	dma.local @!p0 [hbm:s0], s1  }
0x80: {  	s0 =	simm.s32 @!p0 $0x3  }
0x81: {  	_ =	swait.ge @!p0 [sflag:s0], s1  }
0x82: {  	s1 =	ssub.s32 @!p0 $0x0, s1;
	[sflag:s0] =	ssyncset.done @!p0 $0x0  }
0x83: {  	[sflag:s0] =	ssyncadd.s32 @!p0 s1  }
0x84: {  	[bflag:$0x3] =	sbarrier.arrive $0xFFFF  }
0x85: {  	_ =	shalt  }

// kernel: kernel.9.cloned.1.call-start
scs
__scs_entry_jumppad:
0x0: {  	(pc) =	sbr.rel $0x88, $3  }
0x1: {  	(tag) =	ssettag $0x0;
	lr =	simm.s32 $0x1  }
0x2: {  	[smem:$0x3F9B] =	sst lr;
	_ =	strace $0xD0000000  }
0x3: {  	_ = 	snop  }
0x4: {  	_ = 	snop  }
0x5: {  	_ = 	snop  }
0x6: {  	_ = 	snop  }
0x7: {  	_ = 	snop  }
__scs_overlays_trampoline_lowered:
0x8: {  	[smem:$0x3FAA] =	sst s0  }
0x9: {  	[smem:$0x3FAB] =	sst s1  }
0xa: {  	[smem:$0x3FAC] =	sst s2  }
0xb: {  	[smem:$0x3FAD] =	sst s3  }
0xc: {  	[smem:$0x3FAE] =	sst s4  }
0xd: {  	[smem:$0x3FAF] =	sst s5  }
0xe: {  	[smem:$0x3FB0] =	sst s6  }
0xf: {  	[smem:$0x3FB1] =	sst s7  }
0x10: {  	[smem:$0x3FB2] =	sst s8  }
0x11: {  	[smem:$0x3FB3] =	sst s9;
	s0 =	simm.s32 @!p0 $0x0  }
0x12: {  	s1 =	sld [smem:$0x3F99];
	s0 =	simm.s32 @p0 $0x1  }
0x13: {  	[smem:$0x3FB4] =	sst s0;
	s0 =	simm.s32 @!p1 $0x0  }
0x14: {  	s2 =	sld [smem:$0x3F98];
	s0 =	simm.s32 @p1 $0x1  }
0x15: {  	[smem:$0x3FB5] =	sst s0;
	s0 =	simm.s32 @!p2 $0x0  }
0x16: {  	s3 =	sld [smem:$0x3FDB];
	s0 =	simm.s32 @p2 $0x1  }
0x17: {  	s4 =	simm.s32 $0x1BF5;
	[smem:$0x3FB7] =	sst s0  }
0x18: {  	s0 =	sld [smem:$0x3F9A];
	_ =	swait.ge [sflag:s4], $0x0  }
0x19: {  	s7 =	sld [smem:$0x3F9B]  }
0x1a: {  	s8 =	sadd.s32 $0xFFFFE003, lr  }
0x1b: {  	s9 =	sadd.s32 $0xFFFFFEF7, lr;
	s5 =	simm.s32 $0xFFFFFFFF;
	p2 =	slt.u32 s8, $0xFFFFF086  }
0x1c: {  	p1 =	slt.u32 s9, $0xF7A;
	s5 =	simm.s32 @!p2 $0x0  }
0x1d: {  	s5 =	simm.s32 @p1 $0x1;
	p0 =	seq.s32 s7, s2  }
0x1e: {  	s7 =	smul.u32 @!p0 $0xF7A, s2;
	p2 =	seq.s32 @!p0 s5, $0x0  }
0x1f: {  	s9 =	smul.u32 $0xF7A, s1;
	s8 =	simm.s32 @!p0 $0x1BF5;
	p2 =	por !p2, p0  }
0x20: {  	[sflag:s8] =	ssyncset.s32 @!p0 $0xFFFFF086;
	s6 =	sadd.s32 @!p0 s3, s7;
	s7 =	simm.s32 @!p0 $0x108  }
0x21: {  	s3 =	sadd.s32 s3, s9;
	s6 =	sadd.s32 @!p0 $0x88, s6;
	s7 =	simm.s32 @p2 $0x1082  }
0x22: {  	[simem:s7], [sflag:s8] =	dma.local @!p0 [hbm:s6], $0xF7A  }
0x23: {  	s9 =	sor.u32 $0xD0000000, s2;
	s6 =	simm.s32 $0x108;
	_ =	swait.ge @!p0 [sflag:s8], $0x0  }
0x24: {  	s3 =	sadd.s32 $0x88, s3;
	s6 =	simm.s32 @!p1 $0x1082;
	[sflag:s4] =	ssyncset.s32 $0xFFFFF086  }
0x25: {  	[simem:s6], [sflag:s4] =	dma.local [hbm:s3], $0xF7A  }
0x26: {  	[smem:$0x3F9B] =	sst s1;
	(tag) =	ssettag s2;
	_ =	strace s9  }
0x27: {  	s1 =	sld [smem:$0x3FAB]  }
0x28: {  	s2 =	sld [smem:$0x3FAC]  }
0x29: {  	s4 =	sld [smem:$0x3FAE]  }
0x2a: {  	p0 =	seq.s32 s5, $0x0;
	s5 =	sld [smem:$0x3FAF]  }
0x2b: {  	s6 =	sld [smem:$0x3FB0]  }
0x2c: {  	s7 =	sld [smem:$0x3FB1]  }
0x2d: {  	s3 =	simm.s32 $0x108;
	s8 =	sld [smem:$0x3FB2]  }
0x2e: {  	s3 =	simm.s32 @!p0 $0x1082;
	s9 =	sld [smem:$0x3FB3]  }
0x2f: {  	lr =	sadd.s32 s0, s3;
	s0 =	sld [smem:$0x3FAA]  }
0x30: {  	s3 =	sld [smem:$0x3FAD]  }
0x31: {  	[smem:$0x3FB6] =	sst s10  }
0x32: {  	s10 =	sld [smem:$0x3FB4];
	_ =	sdelay $0x3  }
0x33: {  	p0 =	seq.s32 s10, $0x1;
	s10 =	sld [smem:$0x3FB6];
	_ =	sdelay $0x3  }
0x34: {  	[smem:$0x3FB6] =	sst s10  }
0x35: {  	s10 =	sld [smem:$0x3FB5];
	_ =	sdelay $0x3  }
0x36: {  	p1 =	seq.s32 s10, $0x1;
	s10 =	sld [smem:$0x3FB6];
	_ =	sdelay $0x3  }
0x37: {  	[smem:$0x3FB6] =	sst s10  }
0x38: {  	s10 =	sld [smem:$0x3FB7]  }
0x39: {  	_ = 	snop;
	(pc) =	sbr.ind lr, $3  }
0x3a: {  	_ = 	snop  }
0x3b: {  	_ = 	snop  }
0x3c: {  	p2 =	seq.s32 s10, $0x1;
	s10 =	sld [smem:$0x3FB6]  }
0x3d: {  	_ =	shalt  }
0x3e: {  	_ =	shalt  }
0x3f: {  	_ =	shalt  }
0x40: {  	_ =	shalt  }
0x41: {  	_ =	shalt  }
0x42: {  	_ =	shalt  }
0x43: {  	_ =	shalt  }
0x44: {  	_ =	shalt  }
0x45: {  	_ =	shalt  }
0x46: {  	_ =	shalt  }
0x47: {  	_ =	shalt  }
0x48: {  	_ =	shalt  }
0x49: {  	_ =	shalt  }
0x4a: {  	_ =	shalt  }
0x4b: {  	_ =	shalt  }
0x4c: {  	_ =	shalt  }
0x4d: {  	_ =	shalt  }
0x4e: {  	_ =	shalt  }
0x4f: {  	_ =	shalt  }
0x50: {  	_ =	shalt  }
0x51: {  	_ =	shalt  }
0x52: {  	_ =	shalt  }
0x53: {  	_ =	shalt  }
0x54: {  	_ =	shalt  }
0x55: {  	_ =	shalt  }
0x56: {  	_ =	shalt  }
0x57: {  	_ =	shalt  }
0x58: {  	_ =	shalt  }
0x59: {  	_ =	shalt  }
0x5a: {  	_ =	shalt  }
0x5b: {  	_ =	shalt  }
0x5c: {  	_ =	shalt  }
0x5d: {  	_ =	shalt  }
0x5e: {  	_ =	shalt  }
0x5f: {  	_ =	shalt  }
0x60: {  	_ =	shalt  }
0x61: {  	_ =	shalt  }
0x62: {  	_ =	shalt  }
0x63: {  	_ =	shalt  }
0x64: {  	_ =	shalt  }
0x65: {  	_ =	shalt  }
0x66: {  	_ =	shalt  }
0x67: {  	_ =	shalt  }
0x68: {  	_ =	shalt  }
0x69: {  	_ =	shalt  }
0x6a: {  	_ =	shalt  }
0x6b: {  	_ =	shalt  }
0x6c: {  	_ =	shalt  }
0x6d: {  	_ =	shalt  }
0x6e: {  	_ =	shalt  }
0x6f: {  	_ =	shalt  }
0x70: {  	_ =	shalt  }
0x71: {  	_ =	shalt  }
0x72: {  	_ =	shalt  }
0x73: {  	_ =	shalt  }
0x74: {  	_ =	shalt  }
0x75: {  	_ =	shalt  }
0x76: {  	_ =	shalt  }
0x77: {  	_ =	shalt  }
0x78: {  	_ =	shalt  }
0x79: {  	_ =	shalt  }
0x7a: {  	_ =	shalt  }
0x7b: {  	_ =	shalt  }
0x7c: {  	_ =	shalt  }
0x7d: {  	_ =	shalt  }
0x7e: {  	_ =	shalt  }
0x7f: {  	_ =	shalt  }
0x80: {  	_ =	shalt  }
0x81: {  	_ =	shalt  }
0x82: {  	_ =	shalt  }
0x83: {  	_ =	shalt  }
0x84: {  	_ =	shalt  }
0x85: {  	_ =	shalt  }
0x86: {  	_ =	shalt  }
0x87: {  	_ =	shalt  }
.Lfunc_end0:
.L_simem_size_0:
called_computation.1_lowered:
.L_overlay_start_0:
0x88: {  	s2 =	sld [smem:$0x3FD9]  }
0x89: {  	s3 =	sld [smem:$0x3FFE];
	_ =	sdelay $0x1  }
0x8a: {  	s1 =	srdreg.scid  }
0x8b: {  	s0 =	sand.u32 $0x1, s1  }
0x8c: {  	s17 =	sshll.u32 s0, $0xA;
	s2 =	sadd.s32 s3, s2  }
0x8d: {  	s2 =	sadd.s32 s2, s17  }
0x8e: {  	[smem:$0x3FC2] =	sst s2  }
0x8f: {  	_ = 	snop  }
0x90: {  	s2 =	sld [smem:$0x3FC6]  }
0x91: {  	s18 =	sld [smem:$0x3FD0];
	(tm) =	ssettm $0x1  }
0x92: {  	s4 =	sld [smem:$0x3FFB];
	_ =	sdelay $0x3  }
0x93: {  	_ =	strace s4  }
0x94: {  	s4 =	sld [smem:$0x3FFC];
	_ =	sdelay $0x3  }
0x95: {  	_ =	strace s4  }
0x96: {  	s4 =	sld [smem:$0x3FFD];
	_ =	sdelay $0x3  }
0x97: {  	_ =	strace s4  }
0x98: {  	_ =	strace $0x8FFFFFFF  }
0x99: {  	s19 =	sld [smem:$0x3FDB];
	_ =	sdelay $0x1  }
0x9a: {  	s5 =	simm.s32 $_scs_section_size  }
0x9b: {  	s6 =	simm.s32 $_size__tile_overlayer_lowered;
	s7 =	simm.s32 $_tile_overlayer_lowered  }
0x9c: {  	s22 =	simm.s32 $0x1BFF;
	s21 =	sshll.u32 s7, $0x1;
	s4 =	sadd.s32 s5, s19  }
0x9d: {  	s8 =	simm.s32 $0x0;
	s20 =	sshll.u32 s6, $0x1;
	s6 =	sadd.s32 s21, s4  }
0x9e: {  	[timem:s8], [sflag:s22] =	dma.local [hbm:s6], s20  }
0x9f: {  	_ =	swait.ge [sflag:s22], s20  }
0xa0: {  	s5 =	ssub.s32 $0x0, s20;
	[sflag:s22] =	ssyncset.done $0x0  }
0xa1: {  	[sflag:s22] =	ssyncadd.s32 s5;
	_ =	sdelay $0x1  }
0xa2: {  	s23 =	simm.s32 $0x1B8B  }
0xa3: {  	_ =	swait.ge [sflag:s23], $0x1  }
0xa4: {  	[sflag:s23] =	ssyncset.done $0x0  }
0xa5: {  	s25 =	simm.s32 $0x1B8E;
	s24 =	sld [smem:$0x3FFE];
	[sflag:s23] =	ssyncadd.s32 $0xFFFFFFFF  }
0xa6: {  	s26 =	simm.s32 $execute0_lowered;
	[smem:$0x3FD2] =	sst s25  }
0xa7: {  	s6 =	sshll.u32 s26, $0x1;
	_ =	strace $0x80000049;
	[dreg:$0x1] =	wrdreg $0xFFFFFFFF  }
0xa8: {  	s28 =	simm.s32 $_size_execute0_lowered;
	s4 =	sadd.s32 s4, s6;
	[dreg:$0x0] =	wrdreg $0x0  }
0xa9: {  	s6 =	sshll.u32 s28, $0x1;
	[dreg:$0x2] =	wrdreg s4  }
0xaa: {  	[dreg:$0x3] =	wrdreg s6  }
0xab: {  	[dreg:$0x4] =	wrdreg $0xC0  }
0xac: {  	_ =	task [dreg:s8], $0x5FFFF  }
0xad: {  	[dreg:$0x1] =	wrdreg $0xFFFFFFFF  }
0xae: {  	[dreg:$0x0] =	wrdreg $0x60  }
0xaf: {  	[dreg:$0x2] =	wrdreg s24  }
0xb0: {  	[dreg:$0x3] =	wrdreg s2  }
0xb1: {  	[dreg:$0x4] =	wrdreg s18  }
0xb2: {  	[dreg:$0x5] =	wrdreg $0xBE300  }
0xb3: {  	[dreg:$0x6] =	wrdreg $0xE6300  }
0xb4: {  	[dreg:$0x7] =	wrdreg $0x9  }
0xb5: {  	_ =	task.clear_ibuf [dreg:s8], $0x8FFFF;
	_ =	strace $0x90000049  }
0xb6: {  	s29 =	simm.s32 $0x9;
	_ =	strace $0x8000004B  }
0xb7: {  	_ =	swait.ge [sflag:s29], $0x1  }
0xb8: {  	[sflag:s29] =	ssyncadd.s32 $0xFFFFFFFF  }
0xb9: {  	_ =	strace $0x9000004B  }
0xba: {  	_ =	sfence  }
0xbb: {  	s30 =	sld [smem:$0x0];
	_ =	sdelay $0x2  }
0xbc: {  	s31 =	sshll.u32 s1, $0xD;
	s1 =	sshrl.u32 s1, $0x2  }
0xbd: {  	s3 =	sand.u32 $0x4000, s31;
	s1 =	sadd.s32 s1, s30  }
0xbe: {  	s0 =	sor.u32 s3, s0;
	s1 =	sshll.u32 s1, $0x11  }
0xbf: {  	s0 =	sor.u32 s1, s0  }
0xc0: {  	s0 =	sadd.s32 $0x8F2B, s0  }
0xc1: {  	[sflag:s0] =	ssyncadd.remote.s32 $0x1  }
0xc2: {  	_ =	sfence.sel $0xFFFF  }
0xc3: {  	[dreg:$0x0] =	wrdreg $0xFFFFFFFF;
	(pc) =	sbr.abs _section_cstart, $3  }
0xc4: {  	[dreg:$0x1] =	wrdreg $0xFFFFFFFF  }
0xc5: {  	_ =	task.clear_ibuf [dreg:s8], $0x2FFFF;
	_ =	strace $0x9FFFFFFF  }
0xc6: {  	(tm) =	ssettm $0x7FFFFFFF  }
0xc7: {  	_ =	shalt  }
tec
execute0_lowered:
.L_overlay_start_1:
0x0: {  	(tag) =	ssettag $0x1  }
0x1: {  	s0 =	rddreg [dreg:$0x0]  }
0x2: {  	s3 =	rddreg [dreg:$0x3]  }
0x3: {  	s4 =	rddreg [dreg:$0x4];
	s6 =	simm.s32 $0x0  }
0x4: {  	s7 =	stileid.u32;
	s1 =	srdreg.scid;
	s8 =	simm.s32 $0x28000  }
0x5: {  	s15 =	simm.s32 $0x4800;
	s16 =	simm.s32 $0x3;
	s21 =	simm.s32 $0x80  }
0x6: {  	s22 =	simm.s32 $0x2800;
	s23 =	simm.s32 $0x1;
	s24 =	simm.s32 $0x2  }
0x7: {  	s25 =	simm.s32 $0x1380;
	s26 =	simm.s32 $0x4000;
	s28 =	simm.s32 $0x2700  }
0x8: {  	s29 =	simm.s32 $0x3800;
	s30 =	simm.s32 $0x2780;
	s31 =	simm.s32 $0x0  }
0x9: {  	[smem:$0x7FF] =	sst s6;
	s2 =	smul.u32 $0x2710, s7;
	s1 =	sand.u32 $0x1, s1  }
0xa: {  	s5 =	sshll.u32 s7, $0x1;
	s7 =	smul.u32 $0x2800, s7;
	_ =	strace $0x8000004A  }
0xb: {  	p0 =	seq.s32 s1, $0x1;
	s5 =	sor.u32 s1, s5;
	s1 =	ssub.s32 $0x2, s1  }
0xc: {  	s9 =	sshrl.u32 s2, $0x3;
	s8 =	simm.s32 @!p0 $0x0;
	s5 =	smul.u32 $0x280, s5  }
0xd: {  	s10 =	sshrl.u32 s1, $0x1;
	s8 =	sadd.s32 s7, s8;
	s9 =	sadd.s32 s9, s0  }
0xe: {  	s1 =	ssub.s32 s1, s10;
	s7 =	sadd.s32 s7, s3;
	s10 =	sadd.s32 s2, s4  }
0xf: {  	s8 =	sshrl.u32 s8, $0x3;
	s5 =	sadd.s32 s5, s0;
	s14 =	smax.u32 s1, $0x1  }
0x10: {  	s0 =	sadd.s32 s8, s0;
	s8 =	sadd.s32 $0x31E00, s9;
	s9 =	sadd.s32 $0x36E00, s9  }
0x11: {  	s11 =	sadd.s32 $0x27E00, s5;
	s12 =	sadd.s32 $0x2CE00, s5;
	s13 =	sadd.s32 $0xC00, s0  }
.LBB2_1:
0x12: {  	s0 =	rddreg [dreg:$0x2]  }
0x13: {  	[tilespmem:s15], [sflag:$0x3] =	stream.linear.gather [hbm4b:s0+s6], $0x2800, $0x38;
	[tilespmem:$0x10D40] =	vst v63  }
0x14: {  	_ =	swait.ge [sflag:s16], $0x2800  }
0x15: {  	[sflag:s16] =	ssyncset.done $0x0  }
0x16: {  	[sflag:s16] =	ssyncadd.s32 $0xFFFFD800  }
0x17: {  	[spmem:s7] =	stream.linear.scatter [tilespmem:s15], [sflag:$0x3], $0x2800, $0x38;
	[tilespmem:$0x10D40] =	vst v63  }
0x18: {  	_ =	swait.ge [sflag:s16], $0x2800  }
0x19: {  	[sflag:s16] =	ssyncset.done $0x0  }
0x1a: {  	s18 =	simm.s32 $0x7000;
	[sflag:s16] =	ssyncadd.s32 $0xFFFFD800  }
0x1b: {  	[tilespmem:s18], [sflag:$0x3] =	stream.linear.gather [hbm4b:s8+s6], $0x2710, $0x38;
	[tilespmem:$0x10D40] =	vst v63  }
0x1c: {  	_ =	swait.ge [sflag:s16], $0x2710  }
0x1d: {  	[sflag:s16] =	ssyncset.done $0x0  }
0x1e: {  	s19 =	simm.s32 $0x9710;
	[sflag:s16] =	ssyncadd.s32 $0xFFFFD8F0  }
0x1f: {  	[tilespmem:s19], [sflag:$0x3] =	stream.linear.gather [hbm4b:s9+s6], $0x2710, $0x38;
	[tilespmem:$0x10D40] =	vst v63  }
0x20: {  	_ =	swait.ge [sflag:s16], $0x2710  }
0x21: {  	[sflag:s16] =	ssyncset.done $0x0  }
0x22: {  	[sflag:s16] =	ssyncadd.s32 $0xFFFFD8F0  }
0x23: {  	s1 =	simm.s32 $0xBE20;
	s20 =	rddreg [dreg:$0x1]  }
0x24: {  	[tilespmem:s1], [sflag:$0x3] =	stream.linear.gather [hbm4b:s20+s6], $0x10, $0x38;
	[tilespmem:$0x10D40] =	vst v63  }
0x25: {  	_ =	swait.ge [sflag:s16], $0x10  }
0x26: {  	[sflag:s16] =	ssyncset.done $0x0  }
0x27: {  	s0 =	simm.s32 $0x0;
	[sflag:s16] =	ssyncadd.s32 $0xFFFFFFF0  }
0x28: {  	v1 =	vld [tilespmem:s0+$0x7000]  }
0x29: {  	v2 =	vld [tilespmem:s0+$0x9710];
	_ =	sdelay $0x1  }
0x2a: {  	v0 =	vld [tilespmem:$0xBE20];
	_ =	sdelay $0x2  }
0x2b: {  	s1 =	simm.s32 $0x10;
	v1 =	vadd.f32 v2, v1  }
0x2c: {  	v2 =	vld [tilespmem:s1+$0x9710]  }
0x2d: {  	v3 =	vadd.f32 v1, v0;
	v1 =	vld [tilespmem:s1+$0x7000];
	_ =	sdelay $0x2  }
0x2e: {  	s2 =	simm.s32 $0x80;
	v3 =	vmax.f32 v3, $0.0e+00  }
.LBB2_2:
0x2f: {  	[tilespmem:s0+$0x4800] =	vst v3;
	s0 =	smov.u32 s1;
	s1 =	sshra.s32 s2, $0x2;
	p0 =	sne.s32 s2, $0x9C00  }
.Ltmp0:
0x30: {  	s2 =	sadd.s32 $0x40, s2;
	v3 =	vadd.f32 v2, v1;
	v1 =	vld [tilespmem:s1+$0x7000];
	(pc) =	sbr.rel @p0 .LBB2_2-.Ltmp0, $3  }
0x31: {  	v2 =	vld [tilespmem:s1+$0x9710]  }
0x32: {  	v3 =	vadd.f32 v3, v0;
	_ =	sdelay $0x1  }
0x33: {  	v3 =	vmax.f32 v3, $0.0e+00  }
0x34: {  	_ = 	snop  }
0x35: {  	v1 =	vadd.f32 v2, v1;
	_ =	sdelay $0x1  }
0x36: {  	v0 =	vadd.f32 v1, v0;
	_ =	sdelay $0x1  }
0x37: {  	[tilespmem:s0+$0x4800] =	vst v3;
	v0 =	vmax.f32 v0, $0.0e+00  }
0x38: {  	[tilespmem:s1+$0x4800] =	vst v0  }
0x39: {  	[spmem:s10] =	stream.linear.scatter [tilespmem:s15], [sflag:$0x3], $0x2710, $0x38;
	[tilespmem:$0x10D40] =	vst v63  }
0x3a: {  	_ =	swait.ge [sflag:s16], $0x2710  }
0x3b: {  	[sflag:s16] =	ssyncset.done $0x0  }
0x3c: {  	s17 =	simm.s32 $0x0;
	[sflag:s16] =	ssyncadd.s32 $0xFFFFD8F0  }
0x3d: {  	[tilespmem:s17], [sflag:$0x3] =	stream.linear.gather [hbm4b:s11+s17], $0x1400, $0x38;
	[tilespmem:$0x10D40] =	vst v63  }
0x3e: {  	_ =	swait.ge [sflag:s16], $0x1400  }
0x3f: {  	[sflag:s16] =	ssyncset.done $0x0  }
0x40: {  	s18 =	simm.s32 $0x1400;
	[sflag:s16] =	ssyncadd.s32 $0xFFFFEC00  }
0x41: {  	[tilespmem:s18], [sflag:$0x3] =	stream.linear.gather [hbm4b:s12+s17], $0x1400, $0x38;
	[tilespmem:$0x10D40] =	vst v63  }
0x42: {  	_ =	swait.ge [sflag:s16], $0x1400  }
0x43: {  	s19 =	simm.s32 $0x2000;
	[sflag:s16] =	ssyncset.done $0x0  }
0x44: {  	s1 =	sand.u32 $0x6000, s19;
	[sflag:s16] =	ssyncadd.s32 $0xFFFFEC00  }
0x45: {  	s1 =	sshrl.u32 s1, $0x2;
	[bflag:$0x0] =	sbarrier.arrive $0xFFFF  }
0x46: {  	[tilespmem:s22], [sflag:$0x1] =	stream.indirect.gather [spmem:s4], $0x10, s17, s21, $0xb8;
	[tilespmem:$0x10D40] =	vst v63  }
0x47: {  	s2 =	simm.s32 $0x80;
	s1 =	sadd.s32 $0x2800, s1  }
0x48: {  	[tilespmem:s1], [sflag:$0x2] =	stream.indirect.gather [spmem:s4], $0x10, s2, s21, $0xb8;
	[tilespmem:$0x10D40] =	vst v63  }
0x49: {  	s0 =	sand.u32 $0x4000, s17;
	_ =	swait.ge [sflag:s23], $0x800  }
0x4a: {  	s5 =	simm.s32 $0x1400;
	s20 =	sshrl.u32 s0, $0x2;
	[sflag:s23] =	ssyncset.done $0x0  }
0x4b: {  	s0 =	simm.s32 $0x4000;
	s2 =	sor.u32 $0x2800, s20;
	[sflag:s23] =	ssyncadd.s32 $0xFFFFF800  }
0x4c: {  	[spmem:s3] =	stream.indirect.scatter.add.f32 [tilespmem:s2], [sflag:$0x3], $0x10, s5, s21, $0xb8;
	[tilespmem:$0x10D40] =	vst v63  }
0x4d: {  	s5 =	sand.u32 $0x4000, s0;
	_ =	swait.ge [sflag:s16], $0x800  }
0x4e: {  	s2 =	sshrl.u32 s5, $0x2;
	[sflag:s16] =	ssyncset.done $0x0  }
0x4f: {  	s17 =	simm.s32 $0x100;
	s2 =	sor.u32 $0x2800, s2;
	[sflag:s16] =	ssyncadd.s32 $0xFFFFF800  }
0x50: {  	[tilespmem:s2], [sflag:$0x1] =	stream.indirect.gather [spmem:s4], $0x10, s17, s21, $0xb8;
	[tilespmem:$0x10D40] =	vst v63  }
0x51: {  	_ =	swait.ge [sflag:s24], $0x800  }
0x52: {  	[sflag:s24] =	ssyncset.done $0x0  }
0x53: {  	s19 =	simm.s32 $0x1480;
	s18 =	simm.s32 $0x6000;
	[sflag:s24] =	ssyncadd.s32 $0xFFFFF800  }
0x54: {  	[spmem:s3] =	stream.indirect.scatter.add.f32 [tilespmem:s1], [sflag:$0x3], $0x10, s19, s21, $0xb8;
	[tilespmem:$0x10D40] =	vst v63  }
0x55: {  	s20 =	sand.u32 $0x6000, s18;
	s5 =	simm.s32 $0x100;
	_ =	swait.ge [sflag:s16], $0x800  }
0x56: {  	s2 =	simm.s32 $0x800;
	s17 =	sshrl.u32 s20, $0x2;
	[sflag:s16] =	ssyncset.done $0x0  }
.LBB2_4:
0x57: {  	s17 =	sadd.s32 $0x2800, s17  }
0x58: {  	s1 =	sadd.s32 $0x80, s5;
	[sflag:s16] =	ssyncadd.s32 $0xFFFFF800;
	s18 =	smov.u32 s2  }
0x59: {  	[tilespmem:s17], [sflag:$0x2] =	stream.indirect.gather [spmem:s4], $0x10, s1, s21, $0xb8;
	[tilespmem:$0x10D40] =	vst v63  }
0x5a: {  	s19 =	sadd.s32 $0x400, s2;
	s1 =	sand.u32 $0x4000, s0;
	_ =	swait.ge [sflag:s23], $0x800  }
0x5b: {  	s0 =	sadd.s32 $0x4000, s0;
	s1 =	sshrl.u32 s1, $0x2;
	[sflag:s23] =	ssyncset.done $0x0  }
0x5c: {  	s20 =	sadd.s32 $0x1400, s5;
	s1 =	sor.u32 $0x2800, s1;
	[sflag:s23] =	ssyncadd.s32 $0xFFFFF800  }
0x5d: {  	[spmem:s3] =	stream.indirect.scatter.add.f32 [tilespmem:s1], [sflag:$0x3], $0x10, s20, s21, $0xb8;
	[tilespmem:$0x10D40] =	vst v63  }
0x5e: {  	p0 =	sne.s32 s2, $0x4800;
	s1 =	sand.u32 $0x4000, s0;
	_ =	swait.ge [sflag:s16], $0x800  }
0x5f: {  	s1 =	sshrl.u32 s1, $0x2;
	[sflag:s16] =	ssyncset.done $0x0  }
0x60: {  	s2 =	sadd.s32 $0x100, s5;
	s1 =	sor.u32 $0x2800, s1;
	[sflag:s16] =	ssyncadd.s32 $0xFFFFF800  }
0x61: {  	[tilespmem:s1], [sflag:$0x1] =	stream.indirect.gather [spmem:s4], $0x10, s2, s21, $0xb8;
	[tilespmem:$0x10D40] =	vst v63  }
0x62: {  	_ =	swait.ge [sflag:s24], $0x800  }
.Ltmp1:
0x63: {  	s2 =	sadd.s32 $0x2000, s0;
	[sflag:s24] =	ssyncset.done $0x0;
	(pc) =	sbr.rel @p0 .LBB2_4-.Ltmp1, $4  }
0x64: {  	s5 =	sadd.s32 $0x1480, s5;
	s2 =	sand.u32 $0x6000, s2;
	[sflag:s24] =	ssyncadd.s32 $0xFFFFF800  }
0x65: {  	[spmem:s3] =	stream.indirect.scatter.add.f32 [tilespmem:s17], [sflag:$0x3], $0x10, s5, s21, $0xb8;
	[tilespmem:$0x10D40] =	vst v63  }
0x66: {  	s17 =	sshrl.u32 s2, $0x2;
	_ =	swait.ge [sflag:s16], $0x800  }
0x67: {  	s5 =	sshra.s32 s18, $0x2;
	s2 =	smov.u32 s19;
	[sflag:s16] =	ssyncset.done $0x0  }
0x68: {  	s2 =	sadd.s32 $0x2800, s17;
	s20 =	sadd.s32 $0x80, s5;
	[sflag:s16] =	ssyncadd.s32 $0xFFFFF800  }
0x69: {  	[tilespmem:s2], [sflag:$0x2] =	stream.indirect.gather [spmem:s4], $0x10, s20, s21, $0xb8;
	[tilespmem:$0x10D40] =	vst v63  }
0x6a: {  	_ =	swait.ge [sflag:s23], $0x800  }
0x6b: {  	[sflag:s23] =	ssyncset.done $0x0  }
0x6c: {  	s0 =	sadd.s32 $0x4000, s0;
	s18 =	sadd.s32 $0x1400, s5;
	[sflag:s23] =	ssyncadd.s32 $0xFFFFF800  }
0x6d: {  	[spmem:s3] =	stream.indirect.scatter.add.f32 [tilespmem:s1], [sflag:$0x3], $0x10, s18, s21, $0xb8;
	[tilespmem:$0x10D40] =	vst v63  }
0x6e: {  	s0 =	sand.u32 $0x4000, s0;
	_ =	swait.ge [sflag:s16], $0x800  }
0x6f: {  	s0 =	sshrl.u32 s0, $0x2;
	[sflag:s16] =	ssyncset.done $0x0  }
0x70: {  	s19 =	sadd.s32 $0x100, s5;
	s0 =	sor.u32 $0x2800, s0;
	[sflag:s16] =	ssyncadd.s32 $0xFFFFF800  }
0x71: {  	[tilespmem:s0], [sflag:$0x1] =	stream.indirect.gather [spmem:s4], $0x10, s19, s21, $0xb8;
	[tilespmem:$0x10D40] =	vst v63  }
0x72: {  	_ =	swait.ge [sflag:s24], $0x800  }
0x73: {  	[sflag:s24] =	ssyncset.done $0x0  }
0x74: {  	s20 =	sadd.s32 $0x1480, s5;
	[sflag:s24] =	ssyncadd.s32 $0xFFFFF800  }
0x75: {  	[spmem:s3] =	stream.indirect.scatter.add.f32 [tilespmem:s2], [sflag:$0x3], $0x10, s20, s21, $0xb8;
	[tilespmem:$0x10D40] =	vst v63  }
0x76: {  	_ =	swait.ge [sflag:s16], $0x800  }
0x77: {  	[sflag:s16] =	ssyncset.done $0x0  }
0x78: {  	[sflag:s16] =	ssyncadd.s32 $0xFFFFF800  }
0x79: {  	[tilespmem:s26], [sflag:$0x2] =	stream.indirect.gather [spmem:s4], $0x10, s25, s21, $0xb8;
	[tilespmem:$0x10D40] =	vst v63  }
0x7a: {  	_ =	swait.ge [sflag:s23], $0x800  }
0x7b: {  	[sflag:s23] =	ssyncset.done $0x0  }
0x7c: {  	[sflag:s23] =	ssyncadd.s32 $0xFFFFF800  }
0x7d: {  	[spmem:s3] =	stream.indirect.scatter.add.f32 [tilespmem:s29], [sflag:$0x3], $0x10, s28, s21, $0xb8;
	[tilespmem:$0x10D40] =	vst v63  }
0x7e: {  	_ =	swait.ge [sflag:s16], $0x800  }
0x7f: {  	[sflag:s16] =	ssyncset.done $0x0  }
0x80: {  	[sflag:s16] =	ssyncadd.s32 $0xFFFFF800  }
0x81: {  	_ =	swait.ge [sflag:s24], $0x800  }
0x82: {  	[sflag:s24] =	ssyncset.done $0x0  }
0x83: {  	[sflag:s24] =	ssyncadd.s32 $0xFFFFF800  }
0x84: {  	[spmem:s3] =	stream.indirect.scatter.add.f32 [tilespmem:s26], [sflag:$0x3], $0x10, s30, s21, $0xb8;
	[tilespmem:$0x10D40] =	vst v63  }
0x85: {  	_ =	swait.ge [sflag:s16], $0x800  }
0x86: {  	[sflag:s16] =	ssyncset.done $0x0  }
0x87: {  	[sflag:s16] =	ssyncadd.s32 $0xFFFFF800  }
0x88: {  	[bflag:$0x0] =	sbarrier.arrive $0xFFFF  }
0x89: {  	[tilespmem:s15], [sflag:$0x3] =	stream.linear.gather [spmem:s7], $0x2800, $0x38;
	[tilespmem:$0x10D40] =	vst v63  }
0x8a: {  	s31 =	sadd.s32 $0x1, s31;
	_ =	swait.ge [sflag:s16], $0x2800  }
0x8b: {  	p0 =	sne.s32 s31, s14;
	[sflag:s16] =	ssyncset.done $0x0  }
.Ltmp2:
0x8c: {  	[sflag:s16] =	ssyncadd.s32 $0xFFFFD800;
	(pc) =	sbr.rel @p0 .LBB2_1-.Ltmp2, $4  }
0x8d: {  	[hbm4b:s13+s6] =	stream.linear.scatter [tilespmem:s15], [sflag:$0x3], $0x2800, $0x38;
	[tilespmem:$0x10D40] =	vst v63  }
0x8e: {  	_ =	swait.ge [sflag:s16], $0x2800  }
0x8f: {  	[sflag:s16] =	ssyncset.done $0x0  }
0x90: {  	[sflag:s16] =	ssyncadd.s32 $0xFFFFD800  }
0x91: {  	_ =	sfence.sel $0x180000  }
0x92: {  	[bflag:$0x0] =	sbarrier.arrive $0xFFFF  }
0x93: {  	_ =	strace $0x9000004A  }
0x94: {  	s0 =	stileid.u32;
	[bflag:$0x2] =	sbarrier.arrive $0xFFFF  }
0x95: {  	p0 =	sne.s32 s0, $0x0;
	s0 =	rddreg [dreg:$0x5]  }
0x96: {  	s0 =	sadd.s32 @!p0 $0x100000, s0  }
0x97: {  	[sflag:s0] =	ssyncadd.tile.s32 @!p0 $0x1;
	_ =	shalt  }
.Lfunc_end2:
_tile_overlayer_lowered:
.L_overlay_start_2:
0x98: {  	(tag) =	ssettag $0x2  }
0x99: {  	s0 =	rddreg [dreg:$0x0];
	s2 =	stileid.u32  }
0x9a: {  	s1 =	rddreg [dreg:$0x1];
	p0 =	sne.s32 s2, $0x0  }
0x9b: {  	s3 =	rddreg [dreg:$0x2];
	[bflag:$0x3] =	sbarrier.arrive $0xFFFF;
	s2 =	simm.s32 @!p0 $0x1C03  }
0x9c: {  	[timem:s3], [sflag:s2] =	dma.local @!p0 [hbm:s0], s1  }
0x9d: {  	s0 =	simm.s32 @!p0 $0x3  }
0x9e: {  	_ =	swait.ge @!p0 [sflag:s0], s1  }
0x9f: {  	s1 =	ssub.s32 @!p0 $0x0, s1;
	[sflag:s0] =	ssyncset.done @!p0 $0x0  }
0xa0: {  	[sflag:s0] =	ssyncadd.s32 @!p0 s1  }
0xa1: {  	[bflag:$0x3] =	sbarrier.arrive $0xFFFF  }
0xa2: {  	_ =	shalt  }

</sc_bundles>
